<compile_context>
chip_gen: v7x
topology: tpu7x:2x2x1
jax: 0.10.2.dev20260603
libtpu: 0.0.44.dev20260713+nightly
codegen_flags: <defaults>
</compile_context>

<pallas_src>
import functools
import math

import jax
import jax.numpy as jnp
from jax import lax
from jax.experimental import pallas as pl
from jax.experimental.pallas import tpu as pltpu
from jax.experimental.pallas import tpu_sc as plsc

_B = 4
_S = 8192
_D = 1024
_NSEG = 64
_SEGW = _S // _NSEG
_TOPK = 8
_NMACRO = 4
_PAD = 16
_NSRC = 13
_EPS = 1.1920928955078125e-07
_NEG = -3.0e38
_L = 16


def _reduce_body(h_ref, nll_ref, means_ref, lasts_ref, h2_ref, ss_ref):
    x = h_ref[...]
    m = jnp.mean(x, axis=2)
    means_ref[...] = m
    lasts_ref[...] = x[:, :, _SEGW - 1, :]
    nb = m.shape[1]
    h2 = jnp.sum(m * m, axis=2)
    h2_ref[...] = jnp.broadcast_to(h2[:, :, None], (1, nb, _SEGW))
    ss = jnp.mean(nll_ref[...], axis=2)
    ss_ref[...] = jnp.broadcast_to(ss[:, :, None], (1, nb, _SEGW))


def _sqrt16(a):
    i = plsc.bitcast(a, jnp.int32)
    y = plsc.bitcast(jnp.int32(0x5F3759DF) - lax.shift_right_logical(i, 1),
                     jnp.float32)
    for _ in range(5):
        y = y * (1.5 - 0.5 * a * y * y)
    return a * y


def _sc_select_body(means_hbm, lasts_hbm, h2_hbm, ss_hbm, left_hbm, right_hbm,
                    hbuf, sbuf, idxb, mrows, lrows, sem1, sem2):
    wid = lax.axis_index("s") + lax.axis_index("c")

    @pl.when(wid < _B)
    def _():
        b = wid
        iota = lax.iota(jnp.int32, _L)
        zeros_i = jnp.zeros((_L,), jnp.int32)

        pltpu.sync_copy(h2_hbm.at[b], hbuf)
        pltpu.sync_copy(ss_hbm.at[b], sbuf)

        nv = _NSEG // _L
        h = [_sqrt16(plsc.load_gather(hbuf, [iota + k * _L, zeros_i]))
             for k in range(nv)]
        s_sc = [plsc.load_gather(sbuf, [iota + k * _L, zeros_i])
                for k in range(nv)]

        def _zscore(vs):
            tot = vs[0] + vs[1] + vs[2] + vs[3]
            mu = jnp.sum(tot) * (1.0 / _NSEG)
            d = [v - mu for v in vs]
            var = (jnp.sum(d[0] * d[0]) + jnp.sum(d[1] * d[1])
                   + jnp.sum(d[2] * d[2]) + jnp.sum(d[3] * d[3])) * (1.0 / _NSEG)
            sd = _sqrt16(jnp.zeros((_L,), jnp.float32) + var)
            den = jnp.maximum(sd, 1e-6)
            return [dv / den for dv in d]

        hz = _zscore(h)
        sz = _zscore(s_sc)
        w = [hz[k] + sz[k] for k in range(nv)]
        selm = [iota < 0 for _ in range(nv)]

        for _t in range(_TOPK):
            mm = jnp.maximum(jnp.maximum(w[0], w[1]),
                             jnp.maximum(w[2], w[3]))
            m = jnp.max(mm)
            cands = [jnp.where(w[k] >= m, iota + k * _L, _NSEG)
                     for k in range(nv)]
            imin = jnp.min(jnp.minimum(jnp.minimum(cands[0], cands[1]),
                                       jnp.minimum(cands[2], cands[3])))
            for k in range(nv):
                hit = (iota + k * _L) == imin
                selm[k] = selm[k] | hit
                w[k] = jnp.where(hit, _NEG, w[k])

        off = 0
        for k in range(nv):
            sm = selm[k].astype(jnp.int32)
            excl = plsc.cumsum(sm) - sm
            pos = excl + off
            plsc.store_scatter(idxb, [pos], iota + (k * _L + _NSEG * b),
                               mask=selm[k])
            off = off + jnp.sum(sm)

        cp1 = pltpu.async_copy(means_hbm.at[idxb], mrows, sem1)
        cp2 = pltpu.async_copy(lasts_hbm.at[idxb], lrows, sem2)
        cp1.wait()
        cp2.wait()
        pltpu.sync_copy(mrows, left_hbm.at[b])
        pltpu.sync_copy(lrows, right_hbm.at[b])


def _sc_select(meansflat, lastsflat, h2b, ssb):
    f32 = jnp.float32
    mesh = plsc.VectorSubcoreMesh(core_axis_name="c", subcore_axis_name="s", num_cores=1)
    fn = functools.partial(
        pl.kernel,
        mesh=mesh,
        compiler_params=pltpu.CompilerParams(needs_layout_passes=False),
        out_type=[jax.ShapeDtypeStruct((_B, _TOPK, _D), f32),
                  jax.ShapeDtypeStruct((_B, _TOPK, _D), f32)],
        scratch_types=[
            pltpu.VMEM((_NSEG, _SEGW), f32),
            pltpu.VMEM((_NSEG, _SEGW), f32),
            pltpu.VMEM((_TOPK,), jnp.int32),
            pltpu.VMEM((_TOPK, _D), f32),
            pltpu.VMEM((_TOPK, _D), f32),
            pltpu.SemaphoreType.DMA,
            pltpu.SemaphoreType.DMA,
        ],
    )(_sc_select_body)
    return fn(meansflat, lastsflat, h2b, ssb)


def _dot(a, b):
    return lax.dot_general(a, b, (((1,), (0,)), ((), ())),
                           preferred_element_type=jnp.float32)


def _dot_t(a, b):
    return lax.dot_general(a, b, (((1,), (1,)), ((), ())),
                           preferred_element_type=jnp.float32)


def _ct(a, b):
    return lax.dot_general(a, b, (((0,), (0,)), ((), ())),
                           preferred_element_type=jnp.float32)


def _finish_body(means_ref, lasts_ref, l8_ref, r8_ref, q_ref,
                 ws_ref, wk_ref, wv_ref, wo_ref, out_ref):
    f32 = jnp.float32
    gi = lax.broadcasted_iota(jnp.int32, (_NSEG, 8), 0)
    gj = lax.broadcasted_iota(jnp.int32, (_NSEG, 8), 1)
    xm = jnp.where((gj < _NMACRO) & ((gi // 16) == gj), 1.0 / 16.0, 0.0)
    xm = xm + jnp.where(gj == _NMACRO, 1.0 / 64.0, 0.0)
    xl = jnp.where((gj < _NMACRO) & (gi == gj * 16 + 15), 1.0, 0.0)
    xl = xl + jnp.where((gj == _NMACRO) & (gi == _NSEG - 1), 1.0, 0.0)

    left_parts = []
    right_parts = []
    for b in range(_B):
        left_parts.append(jnp.concatenate(
            [l8_ref[b], _ct(xm, means_ref[b])], axis=0))
        right_parts.append(jnp.concatenate(
            [r8_ref[b], _ct(xl, lasts_ref[b])], axis=0))
    left = jnp.concatenate(left_parts, axis=0)
    right = jnp.concatenate(right_parts, axis=0)

    ws = ws_ref[...]
    summ = _dot_t(left, ws[:, :_D]) + _dot_t(right, ws[:, _D:])
    ms = jnp.mean(summ * summ, axis=1, keepdims=True)
    sources = summ * lax.rsqrt(ms + _EPS)

    keys = _dot_t(sources, wk_ref[...])
    vals = _dot_t(sources, wv_ref[...])
    q = q_ref[...]
    att = _dot_t(q, keys) / math.sqrt(_D)
    cols = lax.broadcasted_iota(jnp.int32, (64, _PAD), 1)
    pad_mask = cols >= _NSRC
    prefix_parts = []
    for b in range(_B):
        a_b = jnp.where(pad_mask, _NEG, att[:, b * _PAD:(b + 1) * _PAD])
        a_b = a_b - jnp.max(a_b, axis=1, keepdims=True)
        e = jnp.exp(a_b)
        p_b = e / jnp.sum(e, axis=1, keepdims=True)
        prefix_parts.append(_dot(p_b, vals[b * _PAD:(b + 1) * _PAD]))
    prefix = jnp.concatenate(prefix_parts, axis=0)
    out = _dot_t(prefix, wo_ref[...])
    out_ref[...] = out.reshape(_B, 64, _D)


def kernel(prev_hidden, prev_nll, query, W_sum, W_k, W_v, W_o):
    f32 = jnp.float32
    h4 = prev_hidden.reshape(_B, _NSEG, _SEGW, _D)

    nll3 = prev_nll.reshape(_B, _NSEG, _SEGW)
    nb = 16
    means, lasts, h2b, ssb = pl.pallas_call(
        _reduce_body,
        grid=(_B, _NSEG // nb),
        in_specs=[pl.BlockSpec((1, nb, _SEGW, _D), lambda b, n: (b, n, 0, 0)),
                  pl.BlockSpec((1, nb, _SEGW), lambda b, n: (b, n, 0))],
        out_specs=[pl.BlockSpec((1, nb, _D), lambda b, n: (b, n, 0)),
                   pl.BlockSpec((1, nb, _D), lambda b, n: (b, n, 0)),
                   pl.BlockSpec((1, nb, _SEGW), lambda b, n: (b, n, 0)),
                   pl.BlockSpec((1, nb, _SEGW), lambda b, n: (b, n, 0))],
        out_shape=[jax.ShapeDtypeStruct((_B, _NSEG, _D), f32),
                   jax.ShapeDtypeStruct((_B, _NSEG, _D), f32),
                   jax.ShapeDtypeStruct((_B, _NSEG, _SEGW), f32),
                   jax.ShapeDtypeStruct((_B, _NSEG, _SEGW), f32)],
    )(h4, nll3)

    left8, right8 = _sc_select(means.reshape(_B * _NSEG, _D),
                               lasts.reshape(_B * _NSEG, _D), h2b, ssb)

    out = pl.pallas_call(
        _finish_body,
        in_specs=[
            pl.BlockSpec((_B, _NSEG, _D), lambda: (0, 0, 0)),
            pl.BlockSpec((_B, _NSEG, _D), lambda: (0, 0, 0)),
            pl.BlockSpec((_B, _TOPK, _D), lambda: (0, 0, 0)),
            pl.BlockSpec((_B, _TOPK, _D), lambda: (0, 0, 0)),
            pl.BlockSpec((64, _D), lambda: (0, 0)),
            pl.BlockSpec((_D, 2 * _D), lambda: (0, 0)),
            pl.BlockSpec((_D, _D), lambda: (0, 0)),
            pl.BlockSpec((_D, _D), lambda: (0, 0)),
            pl.BlockSpec((_D, _D), lambda: (0, 0)),
        ],
        out_specs=pl.BlockSpec((_B, 64, _D), lambda: (0, 0, 0)),
        out_shape=jax.ShapeDtypeStruct((_B, 64, _D), f32),
    )(means, lasts, left8, right8, query, W_sum, W_k, W_v, W_o)
    return out

# --- scband reference (transcript-rebuilt; emitter-appended) ---
"""Pipeline reference for scband-typed-prefix-compiler-23338852287192 (READ-ONLY COPY).

The authoritative reference and input builder live on the scoring server;
editing this copy changes nothing except your own understanding.
"""

import jax, jax.numpy as jnp
import numpy as np
import math

BLOCK_COUNT = 64
TOPK_BLOCKS = 8
HIERARCHICAL = True
UTILITY_SOURCE = "combined"
MODEL_DIM = 1024
PREFIX_SLOTS = 64
EPS = 1.1920928955078125e-07


def _segments(seq_len, count):
    count = max(min(int(count), int(seq_len)), 1)
    edges = np.linspace(0.0, float(seq_len), count + 1).astype(np.int64)
    out = []
    for i in range(count):
        start = int(edges[i])
        end = max(int(edges[i + 1]), start + 1)
        out.append((start, end))
    return out


def _seg_feat(hidden, s, e):
    seg = hidden[s:e]
    return jnp.concatenate([seg.mean(axis=0), seg[-1]], axis=0)


def _build_sources_single(hidden, nll, W_sum):
    S, D = hidden.shape
    segs = _segments(S, BLOCK_COUNT)
    h_scores = jnp.stack([jnp.linalg.norm(hidden[s:e].mean(axis=0).astype(jnp.float32)) for s, e in segs])
    s_scores = jnp.stack([nll[s:e].astype(jnp.float32).mean() for s, e in segs])
    if UTILITY_SOURCE == "hidden":
        scores = h_scores
    elif UTILITY_SOURCE == "surprise":
        scores = s_scores
    else:
        hz = (h_scores - h_scores.mean()) / jnp.maximum(h_scores.std(), 1e-6)
        sz = (s_scores - s_scores.mean()) / jnp.maximum(s_scores.std(), 1e-6)
        scores = hz + sz
    keep = min(TOPK_BLOCKS, len(segs))
    _, idx = jax.lax.top_k(scores, keep)
    idx = jnp.sort(idx)
    feats_all = jnp.stack([_seg_feat(hidden, s, e) for s, e in segs])
    feats = [jnp.take(feats_all, idx, axis=0)]
    if HIERARCHICAL:
        macro_count = max(2, min(4, BLOCK_COUNT))
        macro_segs = _segments(S, macro_count)
        feats.append(jnp.stack([_seg_feat(hidden, s, e) for s, e in macro_segs]))
        feats.append(_seg_feat(hidden, 0, S)[None, :])
    stacked = jnp.concatenate(feats, axis=0)
    summaries = stacked @ W_sum.T
    ms = jnp.mean(jnp.square(summaries.astype(jnp.float32)), axis=-1, keepdims=True)
    return (summaries.astype(jnp.float32) * jax.lax.rsqrt(ms + EPS)).astype(summaries.dtype)


def _forward(prev_hidden, prev_nll, query, W_sum, W_k, W_v, W_o):
    B = prev_hidden.shape[0]
    sources = jnp.stack([_build_sources_single(prev_hidden[b], prev_nll[b], W_sum) for b in range(B)], axis=0)
    q = jnp.broadcast_to(query[None, :, :], (B, query.shape[0], query.shape[1]))
    keys = sources @ W_k.T
    values = sources @ W_v.T
    scores = jnp.matmul(q, jnp.swapaxes(keys, 1, 2)) / math.sqrt(sources.shape[-1])
    attn = jax.nn.softmax(scores.astype(jnp.float32), axis=-1).astype(sources.dtype)
    prefix = jnp.matmul(attn, values)
    return prefix @ W_o.T


def setup_inputs(seed: int = 0) -> dict:
    key = jax.random.key(seed)
    ks = jax.random.split(key, 7)
    prev_hidden = jax.random.normal(ks[0], (4, 8192, MODEL_DIM), dtype=jnp.float32)
    prev_nll = jax.random.uniform(ks[1], (4, 8192), dtype=jnp.float32)
    query = jax.random.normal(ks[2], (PREFIX_SLOTS, MODEL_DIM), dtype=jnp.float32) * 0.02
    lim = 1.0 / math.sqrt(2 * MODEL_DIM)
    W_sum = jax.random.uniform(ks[3], (MODEL_DIM, 2 * MODEL_DIM), minval=-lim, maxval=lim, dtype=jnp.float32)
    lim2 = 1.0 / math.sqrt(MODEL_DIM)
    W_k = jax.random.uniform(ks[4], (MODEL_DIM, MODEL_DIM), minval=-lim2, maxval=lim2, dtype=jnp.float32)
    W_v = jax.random.uniform(ks[5], (MODEL_DIM, MODEL_DIM), minval=-lim2, maxval=lim2, dtype=jnp.float32)
    W_o = jax.random.uniform(ks[6], (MODEL_DIM, MODEL_DIM), minval=-lim2, maxval=lim2, dtype=jnp.float32)
    return {"prev_hidden": prev_hidden, "prev_nll": prev_nll, "query": query, "W_sum": W_sum, "W_k": W_k, "W_v": W_v, "W_o": W_o}


def reference(prev_hidden, prev_nll, query, W_sum, W_k, W_v, W_o):
    return _forward(prev_hidden, prev_nll, query, W_sum, W_k, W_v, W_o)

if __name__ == "__main__":
    import jax
    _d = setup_inputs()
    print(jax.jit(kernel)(*tuple(_d.values())))

</pallas_src>

<mosaic_0001>
#map = affine_map<(d0, d1) -> (0, 0)>
#map1 = affine_map<(d0, d1) -> (0, 0, 0)>
module attributes {stable_mosaic.version = 14 : i64} {
  func.func @_sc_select_body(%arg0: i32, %arg1: i32, %arg2: memref<256x1024xf32, #tpu.memory_space<hbm>>, %arg3: memref<256x1024xf32, #tpu.memory_space<hbm>>, %arg4: memref<4x64x128xf32, #tpu.memory_space<hbm>>, %arg5: memref<4x64x128xf32, #tpu.memory_space<hbm>>, %arg6: memref<4x8x1024xf32, #tpu.memory_space<hbm>>, %arg7: memref<4x8x1024xf32, #tpu.memory_space<hbm>>, %arg8: memref<64x128xf32, #tpu.memory_space<vmem>>, %arg9: memref<64x128xf32, #tpu.memory_space<vmem>>, %arg10: memref<8xi32, #tpu.memory_space<vmem>>, %arg11: memref<8x1024xf32, #tpu.memory_space<vmem>>, %arg12: memref<8x1024xf32, #tpu.memory_space<vmem>>, %arg13: memref<!tpu.dma_semaphore, #tpu.memory_space<semaphore_mem>>, %arg14: memref<!tpu.dma_semaphore, #tpu.memory_space<semaphore_mem>>) attributes {dimension_semantics = [#tpu.dimension_semantics<core_parallel>, #tpu.dimension_semantics<subcore_parallel>], iteration_bounds = array<i64: 1, 16>, scalar_prefetch = 0 : i64, scratch_operands = 7 : i64, tpu.core_type = #tpu.core_type<sc_vector_subcore>, window_params = [{transform_indices = #map}, {transform_indices = #map}, {transform_indices = #map1}, {transform_indices = #map1}, {transform_indices = #map1}, {transform_indices = #map1}]} {
    %add3A = arith.addi %arg1, %arg0 : i32
    %lt3A = arith.constant 4 : i32
    %lt3A_0 = arith.cmpi slt, %add3A, %lt3A : i32
    %convert_element_type3A = arith.extui %lt3A_0 : i1 to i32
    %cond3A = arith.constant 0 : i32
    %cond3A_1 = arith.cmpi ne, %convert_element_type3A, %cond3A : i32
    scf.if %cond3A_1 {
      %iota3A = tpu.iota {dimensions = array<i32: 0>} : vector<16xi32>
      %broadcast_in_dim3A = arith.constant 0 : i32
      %broadcast_in_dim3A_2 = vector.broadcast %broadcast_in_dim3A : i32 to vector<16xi32>
      "tpu.region"() ({
        %run_scoped3A = tpu.sem_alloc : memref<!tpu.dma_semaphore, #tpu.memory_space<semaphore_mem>>
        %dma_start3A_1236 = arith.constant 0 : i32
        %dma_start3A_1237 = arith.constant 0 : i32
        %dma_start3A_1238 = tpu.memref_slice %arg4[%add3A, %dma_start3A_1236, %dma_start3A_1237] : memref<4x64x128xf32, #tpu.memory_space<hbm>> -> memref<1x64x128xf32, #tpu.memory_space<hbm>>
        %dma_start3A_1239 = tpu.memref_squeeze %dma_start3A_1238 : memref<1x64x128xf32, #tpu.memory_space<hbm>> -> memref<64x128xf32, #tpu.memory_space<hbm>>
        %dma_start3A_1240 = arith.constant 0 : i32
        %dma_start3A_1241 = arith.constant 0 : i32
        %dma_start3A_1242 = tpu.memref_slice %arg4[%add3A, %dma_start3A_1240, %dma_start3A_1241] : memref<4x64x128xf32, #tpu.memory_space<hbm>> -> memref<1x64x128xf32, #tpu.memory_space<hbm>>
        %dma_start3A_1243 = tpu.memref_squeeze %dma_start3A_1242 : memref<1x64x128xf32, #tpu.memory_space<hbm>> -> memref<64x128xf32, #tpu.memory_space<hbm>>
        tpu.enqueue_dma source(%dma_start3A_1243 : memref<64x128xf32, #tpu.memory_space<hbm>>) target(%arg8 : memref<64x128xf32, #tpu.memory_space<vmem>>) target_semaphore(%run_scoped3A : memref<!tpu.dma_semaphore, #tpu.memory_space<semaphore_mem>>)
        %dma_wait3A_1244 = arith.constant 0 : i32
        %dma_wait3A_1245 = arith.constant 0 : i32
        %dma_wait3A_1246 = tpu.memref_slice %arg4[%add3A, %dma_wait3A_1244, %dma_wait3A_1245] : memref<4x64x128xf32, #tpu.memory_space<hbm>> -> memref<1x64x128xf32, #tpu.memory_space<hbm>>
        %dma_wait3A_1247 = tpu.memref_squeeze %dma_wait3A_1246 : memref<1x64x128xf32, #tpu.memory_space<hbm>> -> memref<64x128xf32, #tpu.memory_space<hbm>>
        %dma_wait3A_1248 = arith.constant 0 : i32
        %dma_wait3A_1249 = arith.constant 0 : i32
        %dma_wait3A_1250 = tpu.memref_slice %arg4[%add3A, %dma_wait3A_1248, %dma_wait3A_1249] : memref<4x64x128xf32, #tpu.memory_space<hbm>> -> memref<1x64x128xf32, #tpu.memory_space<hbm>>
        %dma_wait3A_1251 = tpu.memref_squeeze %dma_wait3A_1250 : memref<1x64x128xf32, #tpu.memory_space<hbm>> -> memref<64x128xf32, #tpu.memory_space<hbm>>
        tpu.wait_dma2 semaphore(%run_scoped3A : memref<!tpu.dma_semaphore, #tpu.memory_space<semaphore_mem>>) src(%dma_wait3A_1251 : memref<64x128xf32, #tpu.memory_space<hbm>>) dst(%arg8 : memref<64x128xf32, #tpu.memory_space<vmem>>)
        tpu.yield
      }) : () -> ()
      "tpu.region"() ({
        %run_scoped3A = tpu.sem_alloc : memref<!tpu.dma_semaphore, #tpu.memory_space<semaphore_mem>>
        %dma_start3A_1236 = arith.constant 0 : i32
        %dma_start3A_1237 = arith.constant 0 : i32
        %dma_start3A_1238 = tpu.memref_slice %arg5[%add3A, %dma_start3A_1236, %dma_start3A_1237] : memref<4x64x128xf32, #tpu.memory_space<hbm>> -> memref<1x64x128xf32, #tpu.memory_space<hbm>>
        %dma_start3A_1239 = tpu.memref_squeeze %dma_start3A_1238 : memref<1x64x128xf32, #tpu.memory_space<hbm>> -> memref<64x128xf32, #tpu.memory_space<hbm>>
        %dma_start3A_1240 = arith.constant 0 : i32
        %dma_start3A_1241 = arith.constant 0 : i32
        %dma_start3A_1242 = tpu.memref_slice %arg5[%add3A, %dma_start3A_1240, %dma_start3A_1241] : memref<4x64x128xf32, #tpu.memory_space<hbm>> -> memref<1x64x128xf32, #tpu.memory_space<hbm>>
        %dma_start3A_1243 = tpu.memref_squeeze %dma_start3A_1242 : memref<1x64x128xf32, #tpu.memory_space<hbm>> -> memref<64x128xf32, #tpu.memory_space<hbm>>
        tpu.enqueue_dma source(%dma_start3A_1243 : memref<64x128xf32, #tpu.memory_space<hbm>>) target(%arg9 : memref<64x128xf32, #tpu.memory_space<vmem>>) target_semaphore(%run_scoped3A : memref<!tpu.dma_semaphore, #tpu.memory_space<semaphore_mem>>)
        %dma_wait3A_1244 = arith.constant 0 : i32
        %dma_wait3A_1245 = arith.constant 0 : i32
        %dma_wait3A_1246 = tpu.memref_slice %arg5[%add3A, %dma_wait3A_1244, %dma_wait3A_1245] : memref<4x64x128xf32, #tpu.memory_space<hbm>> -> memref<1x64x128xf32, #tpu.memory_space<hbm>>
        %dma_wait3A_1247 = tpu.memref_squeeze %dma_wait3A_1246 : memref<1x64x128xf32, #tpu.memory_space<hbm>> -> memref<64x128xf32, #tpu.memory_space<hbm>>
        %dma_wait3A_1248 = arith.constant 0 : i32
        %dma_wait3A_1249 = arith.constant 0 : i32
        %dma_wait3A_1250 = tpu.memref_slice %arg5[%add3A, %dma_wait3A_1248, %dma_wait3A_1249] : memref<4x64x128xf32, #tpu.memory_space<hbm>> -> memref<1x64x128xf32, #tpu.memory_space<hbm>>
        %dma_wait3A_1251 = tpu.memref_squeeze %dma_wait3A_1250 : memref<1x64x128xf32, #tpu.memory_space<hbm>> -> memref<64x128xf32, #tpu.memory_space<hbm>>
        tpu.wait_dma2 semaphore(%run_scoped3A : memref<!tpu.dma_semaphore, #tpu.memory_space<semaphore_mem>>) src(%dma_wait3A_1251 : memref<64x128xf32, #tpu.memory_space<hbm>>) dst(%arg9 : memref<64x128xf32, #tpu.memory_space<vmem>>)
        tpu.yield
      }) : () -> ()
      %add3A_3 = arith.constant 0 : i32
      %add3A_4 = vector.broadcast %add3A_3 : i32 to vector<16xi32>
      %add3A_5 = arith.addi %iota3A, %add3A_4 : vector<16xi32>
      %gather3A = tpu.vector_load_idx %arg8[%add3A_5, %broadcast_in_dim3A_2] : memref<64x128xf32, #tpu.memory_space<vmem>>[vector<16xi32>, vector<16xi32>], vector<16xf32>,
      %bitcast3A = vector.bitcast %gather3A : vector<16xf32> to vector<16xi32>
      %shift_right_logical3A = arith.constant 1 : i32
      %shift_right_logical3A_6 = vector.broadcast %shift_right_logical3A : i32 to vector<16xi32>
      %shift_right_logical3A_7 = arith.shrui %bitcast3A, %shift_right_logical3A_6 : vector<16xi32>
      %sub3A = arith.constant 1597463007 : i32
      %sub3A_8 = vector.broadcast %sub3A : i32 to vector<16xi32>
      %sub3A_9 = arith.subi %sub3A_8, %shift_right_logical3A_7 : vector<16xi32>
      %bitcast3A_10 = vector.bitcast %sub3A_9 : vector<16xi32> to vector<16xf32>
      %mul3A = arith.constant 5.000000e-01 : f32
      %mul3A_11 = vector.broadcast %mul3A : f32 to vector<16xf32>
      %mul3A_12 = arith.mulf %mul3A_11, %gather3A : vector<16xf32>
      %mul3A_13 = arith.mulf %mul3A_12, %bitcast3A_10 : vector<16xf32>
      %mul3A_14 = arith.mulf %mul3A_13, %bitcast3A_10 : vector<16xf32>
      %sub3A_15 = arith.constant 1.500000e+00 : f32
      %sub3A_16 = vector.broadcast %sub3A_15 : f32 to vector<16xf32>
      %sub3A_17 = arith.subf %sub3A_16, %mul3A_14 : vector<16xf32>
      %mul3A_18 = arith.mulf %bitcast3A_10, %sub3A_17 : vector<16xf32>
      %mul3A_19 = arith.constant 5.000000e-01 : f32
      %mul3A_20 = vector.broadcast %mul3A_19 : f32 to vector<16xf32>
      %mul3A_21 = arith.mulf %mul3A_20, %gather3A : vector<16xf32>
      %mul3A_22 = arith.mulf %mul3A_21, %mul3A_18 : vector<16xf32>
      %mul3A_23 = arith.mulf %mul3A_22, %mul3A_18 : vector<16xf32>
      %sub3A_24 = arith.constant 1.500000e+00 : f32
      %sub3A_25 = vector.broadcast %sub3A_24 : f32 to vector<16xf32>
      %sub3A_26 = arith.subf %sub3A_25, %mul3A_23 : vector<16xf32>
      %mul3A_27 = arith.mulf %mul3A_18, %sub3A_26 : vector<16xf32>
      %mul3A_28 = arith.constant 5.000000e-01 : f32
      %mul3A_29 = vector.broadcast %mul3A_28 : f32 to vector<16xf32>
      %mul3A_30 = arith.mulf %mul3A_29, %gather3A : vector<16xf32>
      %mul3A_31 = arith.mulf %mul3A_30, %mul3A_27 : vector<16xf32>
      %mul3A_32 = arith.mulf %mul3A_31, %mul3A_27 : vector<16xf32>
      %sub3A_33 = arith.constant 1.500000e+00 : f32
      %sub3A_34 = vector.broadcast %sub3A_33 : f32 to vector<16xf32>
      %sub3A_35 = arith.subf %sub3A_34, %mul3A_32 : vector<16xf32>
      %mul3A_36 = arith.mulf %mul3A_27, %sub3A_35 : vector<16xf32>
      %mul3A_37 = arith.constant 5.000000e-01 : f32
      %mul3A_38 = vector.broadcast %mul3A_37 : f32 to vector<16xf32>
      %mul3A_39 = arith.mulf %mul3A_38, %gather3A : vector<16xf32>
      %mul3A_40 = arith.mulf %mul3A_39, %mul3A_36 : vector<16xf32>
      %mul3A_41 = arith.mulf %mul3A_40, %mul3A_36 : vector<16xf32>
      %sub3A_42 = arith.constant 1.500000e+00 : f32
      %sub3A_43 = vector.broadcast %sub3A_42 : f32 to vector<16xf32>
      %sub3A_44 = arith.subf %sub3A_43, %mul3A_41 : vector<16xf32>
      %mul3A_45 = arith.mulf %mul3A_36, %sub3A_44 : vector<16xf32>
      %mul3A_46 = arith.constant 5.000000e-01 : f32
      %mul3A_47 = vector.broadcast %mul3A_46 : f32 to vector<16xf32>
      %mul3A_48 = arith.mulf %mul3A_47, %gather3A : vector<16xf32>
      %mul3A_49 = arith.mulf %mul3A_48, %mul3A_45 : vector<16xf32>
      %mul3A_50 = arith.mulf %mul3A_49, %mul3A_45 : vector<16xf32>
      %sub3A_51 = arith.constant 1.500000e+00 : f32
      %sub3A_52 = vector.broadcast %sub3A_51 : f32 to vector<16xf32>
      %sub3A_53 = arith.subf %sub3A_52, %mul3A_50 : vector<16xf32>
      %mul3A_54 = arith.mulf %mul3A_45, %sub3A_53 : vector<16xf32>
      %mul3A_55 = arith.mulf %gather3A, %mul3A_54 : vector<16xf32>
      %add3A_56 = arith.constant 16 : i32
      %add3A_57 = vector.broadcast %add3A_56 : i32 to vector<16xi32>
      %add3A_58 = arith.addi %iota3A, %add3A_57 : vector<16xi32>
      %gather3A_59 = tpu.vector_load_idx %arg8[%add3A_58, %broadcast_in_dim3A_2] : memref<64x128xf32, #tpu.memory_space<vmem>>[vector<16xi32>, vector<16xi32>], vector<16xf32>,
      %bitcast3A_60 = vector.bitcast %gather3A_59 : vector<16xf32> to vector<16xi32>
      %shift_right_logical3A_61 = arith.constant 1 : i32
      %shift_right_logical3A_62 = vector.broadcast %shift_right_logical3A_61 : i32 to vector<16xi32>
      %shift_right_logical3A_63 = arith.shrui %bitcast3A_60, %shift_right_logical3A_62 : vector<16xi32>
      %sub3A_64 = arith.constant 1597463007 : i32
      %sub3A_65 = vector.broadcast %sub3A_64 : i32 to vector<16xi32>
      %sub3A_66 = arith.subi %sub3A_65, %shift_right_logical3A_63 : vector<16xi32>
      %bitcast3A_67 = vector.bitcast %sub3A_66 : vector<16xi32> to vector<16xf32>
      %mul3A_68 = arith.constant 5.000000e-01 : f32
      %mul3A_69 = vector.broadcast %mul3A_68 : f32 to vector<16xf32>
      %mul3A_70 = arith.mulf %mul3A_69, %gather3A_59 : vector<16xf32>
      %mul3A_71 = arith.mulf %mul3A_70, %bitcast3A_67 : vector<16xf32>
      %mul3A_72 = arith.mulf %mul3A_71, %bitcast3A_67 : vector<16xf32>
      %sub3A_73 = arith.constant 1.500000e+00 : f32
      %sub3A_74 = vector.broadcast %sub3A_73 : f32 to vector<16xf32>
      %sub3A_75 = arith.subf %sub3A_74, %mul3A_72 : vector<16xf32>
      %mul3A_76 = arith.mulf %bitcast3A_67, %sub3A_75 : vector<16xf32>
      %mul3A_77 = arith.constant 5.000000e-01 : f32
      %mul3A_78 = vector.broadcast %mul3A_77 : f32 to vector<16xf32>
      %mul3A_79 = arith.mulf %mul3A_78, %gather3A_59 : vector<16xf32>
      %mul3A_80 = arith.mulf %mul3A_79, %mul3A_76 : vector<16xf32>
      %mul3A_81 = arith.mulf %mul3A_80, %mul3A_76 : vector<16xf32>
      %sub3A_82 = arith.constant 1.500000e+00 : f32
      %sub3A_83 = vector.broadcast %sub3A_82 : f32 to vector<16xf32>
      %sub3A_84 = arith.subf %sub3A_83, %mul3A_81 : vector<16xf32>
      %mul3A_85 = arith.mulf %mul3A_76, %sub3A_84 : vector<16xf32>
      %mul3A_86 = arith.constant 5.000000e-01 : f32
      %mul3A_87 = vector.broadcast %mul3A_86 : f32 to vector<16xf32>
      %mul3A_88 = arith.mulf %mul3A_87, %gather3A_59 : vector<16xf32>
      %mul3A_89 = arith.mulf %mul3A_88, %mul3A_85 : vector<16xf32>
      %mul3A_90 = arith.mulf %mul3A_89, %mul3A_85 : vector<16xf32>
      %sub3A_91 = arith.constant 1.500000e+00 : f32
      %sub3A_92 = vector.broadcast %sub3A_91 : f32 to vector<16xf32>
      %sub3A_93 = arith.subf %sub3A_92, %mul3A_90 : vector<16xf32>
      %mul3A_94 = arith.mulf %mul3A_85, %sub3A_93 : vector<16xf32>
      %mul3A_95 = arith.constant 5.000000e-01 : f32
      %mul3A_96 = vector.broadcast %mul3A_95 : f32 to vector<16xf32>
      %mul3A_97 = arith.mulf %mul3A_96, %gather3A_59 : vector<16xf32>
      %mul3A_98 = arith.mulf %mul3A_97, %mul3A_94 : vector<16xf32>
      %mul3A_99 = arith.mulf %mul3A_98, %mul3A_94 : vector<16xf32>
      %sub3A_100 = arith.constant 1.500000e+00 : f32
      %sub3A_101 = vector.broadcast %sub3A_100 : f32 to vector<16xf32>
      %sub3A_102 = arith.subf %sub3A_101, %mul3A_99 : vector<16xf32>
      %mul3A_103 = arith.mulf %mul3A_94, %sub3A_102 : vector<16xf32>
      %mul3A_104 = arith.constant 5.000000e-01 : f32
      %mul3A_105 = vector.broadcast %mul3A_104 : f32 to vector<16xf32>
      %mul3A_106 = arith.mulf %mul3A_105, %gather3A_59 : vector<16xf32>
      %mul3A_107 = arith.mulf %mul3A_106, %mul3A_103 : vector<16xf32>
      %mul3A_108 = arith.mulf %mul3A_107, %mul3A_103 : vector<16xf32>
      %sub3A_109 = arith.constant 1.500000e+00 : f32
      %sub3A_110 = vector.broadcast %sub3A_109 : f32 to vector<16xf32>
      %sub3A_111 = arith.subf %sub3A_110, %mul3A_108 : vector<16xf32>
      %mul3A_112 = arith.mulf %mul3A_103, %sub3A_111 : vector<16xf32>
      %mul3A_113 = arith.mulf %gather3A_59, %mul3A_112 : vector<16xf32>
      %add3A_114 = arith.constant 32 : i32
      %add3A_115 = vector.broadcast %add3A_114 : i32 to vector<16xi32>
      %add3A_116 = arith.addi %iota3A, %add3A_115 : vector<16xi32>
      %gather3A_117 = tpu.vector_load_idx %arg8[%add3A_116, %broadcast_in_dim3A_2] : memref<64x128xf32, #tpu.memory_space<vmem>>[vector<16xi32>, vector<16xi32>], vector<16xf32>,
      %bitcast3A_118 = vector.bitcast %gather3A_117 : vector<16xf32> to vector<16xi32>
      %shift_right_logical3A_119 = arith.constant 1 : i32
      %shift_right_logical3A_120 = vector.broadcast %shift_right_logical3A_119 : i32 to vector<16xi32>
      %shift_right_logical3A_121 = arith.shrui %bitcast3A_118, %shift_right_logical3A_120 : vector<16xi32>
      %sub3A_122 = arith.constant 1597463007 : i32
      %sub3A_123 = vector.broadcast %sub3A_122 : i32 to vector<16xi32>
      %sub3A_124 = arith.subi %sub3A_123, %shift_right_logical3A_121 : vector<16xi32>
      %bitcast3A_125 = vector.bitcast %sub3A_124 : vector<16xi32> to vector<16xf32>
      %mul3A_126 = arith.constant 5.000000e-01 : f32
      %mul3A_127 = vector.broadcast %mul3A_126 : f32 to vector<16xf32>
      %mul3A_128 = arith.mulf %mul3A_127, %gather3A_117 : vector<16xf32>
      %mul3A_129 = arith.mulf %mul3A_128, %bitcast3A_125 : vector<16xf32>
      %mul3A_130 = arith.mulf %mul3A_129, %bitcast3A_125 : vector<16xf32>
      %sub3A_131 = arith.constant 1.500000e+00 : f32
      %sub3A_132 = vector.broadcast %sub3A_131 : f32 to vector<16xf32>
      %sub3A_133 = arith.subf %sub3A_132, %mul3A_130 : vector<16xf32>
      %mul3A_134 = arith.mulf %bitcast3A_125, %sub3A_133 : vector<16xf32>
      %mul3A_135 = arith.constant 5.000000e-01 : f32
      %mul3A_136 = vector.broadcast %mul3A_135 : f32 to vector<16xf32>
      %mul3A_137 = arith.mulf %mul3A_136, %gather3A_117 : vector<16xf32>
      %mul3A_138 = arith.mulf %mul3A_137, %mul3A_134 : vector<16xf32>
      %mul3A_139 = arith.mulf %mul3A_138, %mul3A_134 : vector<16xf32>
      %sub3A_140 = arith.constant 1.500000e+00 : f32
      %sub3A_141 = vector.broadcast %sub3A_140 : f32 to vector<16xf32>
      %sub3A_142 = arith.subf %sub3A_141, %mul3A_139 : vector<16xf32>
      %mul3A_143 = arith.mulf %mul3A_134, %sub3A_142 : vector<16xf32>
      %mul3A_144 = arith.constant 5.000000e-01 : f32
      %mul3A_145 = vector.broadcast %mul3A_144 : f32 to vector<16xf32>
      %mul3A_146 = arith.mulf %mul3A_145, %gather3A_117 : vector<16xf32>
      %mul3A_147 = arith.mulf %mul3A_146, %mul3A_143 : vector<16xf32>
      %mul3A_148 = arith.mulf %mul3A_147, %mul3A_143 : vector<16xf32>
      %sub3A_149 = arith.constant 1.500000e+00 : f32
      %sub3A_150 = vector.broadcast %sub3A_149 : f32 to vector<16xf32>
      %sub3A_151 = arith.subf %sub3A_150, %mul3A_148 : vector<16xf32>
      %mul3A_152 = arith.mulf %mul3A_143, %sub3A_151 : vector<16xf32>
      %mul3A_153 = arith.constant 5.000000e-01 : f32
      %mul3A_154 = vector.broadcast %mul3A_153 : f32 to vector<16xf32>
      %mul3A_155 = arith.mulf %mul3A_154, %gather3A_117 : vector<16xf32>
      %mul3A_156 = arith.mulf %mul3A_155, %mul3A_152 : vector<16xf32>
      %mul3A_157 = arith.mulf %mul3A_156, %mul3A_152 : vector<16xf32>
      %sub3A_158 = arith.constant 1.500000e+00 : f32
      %sub3A_159 = vector.broadcast %sub3A_158 : f32 to vector<16xf32>
      %sub3A_160 = arith.subf %sub3A_159, %mul3A_157 : vector<16xf32>
      %mul3A_161 = arith.mulf %mul3A_152, %sub3A_160 : vector<16xf32>
      %mul3A_162 = arith.constant 5.000000e-01 : f32
      %mul3A_163 = vector.broadcast %mul3A_162 : f32 to vector<16xf32>
      %mul3A_164 = arith.mulf %mul3A_163, %gather3A_117 : vector<16xf32>
      %mul3A_165 = arith.mulf %mul3A_164, %mul3A_161 : vector<16xf32>
      %mul3A_166 = arith.mulf %mul3A_165, %mul3A_161 : vector<16xf32>
      %sub3A_167 = arith.constant 1.500000e+00 : f32
      %sub3A_168 = vector.broadcast %sub3A_167 : f32 to vector<16xf32>
      %sub3A_169 = arith.subf %sub3A_168, %mul3A_166 : vector<16xf32>
      %mul3A_170 = arith.mulf %mul3A_161, %sub3A_169 : vector<16xf32>
      %mul3A_171 = arith.mulf %gather3A_117, %mul3A_170 : vector<16xf32>
      %add3A_172 = arith.constant 48 : i32
      %add3A_173 = vector.broadcast %add3A_172 : i32 to vector<16xi32>
      %add3A_174 = arith.addi %iota3A, %add3A_173 : vector<16xi32>
      %gather3A_175 = tpu.vector_load_idx %arg8[%add3A_174, %broadcast_in_dim3A_2] : memref<64x128xf32, #tpu.memory_space<vmem>>[vector<16xi32>, vector<16xi32>], vector<16xf32>,
      %bitcast3A_176 = vector.bitcast %gather3A_175 : vector<16xf32> to vector<16xi32>
      %shift_right_logical3A_177 = arith.constant 1 : i32
      %shift_right_logical3A_178 = vector.broadcast %shift_right_logical3A_177 : i32 to vector<16xi32>
      %shift_right_logical3A_179 = arith.shrui %bitcast3A_176, %shift_right_logical3A_178 : vector<16xi32>
      %sub3A_180 = arith.constant 1597463007 : i32
      %sub3A_181 = vector.broadcast %sub3A_180 : i32 to vector<16xi32>
      %sub3A_182 = arith.subi %sub3A_181, %shift_right_logical3A_179 : vector<16xi32>
      %bitcast3A_183 = vector.bitcast %sub3A_182 : vector<16xi32> to vector<16xf32>
      %mul3A_184 = arith.constant 5.000000e-01 : f32
      %mul3A_185 = vector.broadcast %mul3A_184 : f32 to vector<16xf32>
      %mul3A_186 = arith.mulf %mul3A_185, %gather3A_175 : vector<16xf32>
      %mul3A_187 = arith.mulf %mul3A_186, %bitcast3A_183 : vector<16xf32>
      %mul3A_188 = arith.mulf %mul3A_187, %bitcast3A_183 : vector<16xf32>
      %sub3A_189 = arith.constant 1.500000e+00 : f32
      %sub3A_190 = vector.broadcast %sub3A_189 : f32 to vector<16xf32>
      %sub3A_191 = arith.subf %sub3A_190, %mul3A_188 : vector<16xf32>
      %mul3A_192 = arith.mulf %bitcast3A_183, %sub3A_191 : vector<16xf32>
      %mul3A_193 = arith.constant 5.000000e-01 : f32
      %mul3A_194 = vector.broadcast %mul3A_193 : f32 to vector<16xf32>
      %mul3A_195 = arith.mulf %mul3A_194, %gather3A_175 : vector<16xf32>
      %mul3A_196 = arith.mulf %mul3A_195, %mul3A_192 : vector<16xf32>
      %mul3A_197 = arith.mulf %mul3A_196, %mul3A_192 : vector<16xf32>
      %sub3A_198 = arith.constant 1.500000e+00 : f32
      %sub3A_199 = vector.broadcast %sub3A_198 : f32 to vector<16xf32>
      %sub3A_200 = arith.subf %sub3A_199, %mul3A_197 : vector<16xf32>
      %mul3A_201 = arith.mulf %mul3A_192, %sub3A_200 : vector<16xf32>
      %mul3A_202 = arith.constant 5.000000e-01 : f32
      %mul3A_203 = vector.broadcast %mul3A_202 : f32 to vector<16xf32>
      %mul3A_204 = arith.mulf %mul3A_203, %gather3A_175 : vector<16xf32>
      %mul3A_205 = arith.mulf %mul3A_204, %mul3A_201 : vector<16xf32>
      %mul3A_206 = arith.mulf %mul3A_205, %mul3A_201 : vector<16xf32>
      %sub3A_207 = arith.constant 1.500000e+00 : f32
      %sub3A_208 = vector.broadcast %sub3A_207 : f32 to vector<16xf32>
      %sub3A_209 = arith.subf %sub3A_208, %mul3A_206 : vector<16xf32>
      %mul3A_210 = arith.mulf %mul3A_201, %sub3A_209 : vector<16xf32>
      %mul3A_211 = arith.constant 5.000000e-01 : f32
      %mul3A_212 = vector.broadcast %mul3A_211 : f32 to vector<16xf32>
      %mul3A_213 = arith.mulf %mul3A_212, %gather3A_175 : vector<16xf32>
      %mul3A_214 = arith.mulf %mul3A_213, %mul3A_210 : vector<16xf32>
      %mul3A_215 = arith.mulf %mul3A_214, %mul3A_210 : vector<16xf32>
      %sub3A_216 = arith.constant 1.500000e+00 : f32
      %sub3A_217 = vector.broadcast %sub3A_216 : f32 to vector<16xf32>
      %sub3A_218 = arith.subf %sub3A_217, %mul3A_215 : vector<16xf32>
      %mul3A_219 = arith.mulf %mul3A_210, %sub3A_218 : vector<16xf32>
      %mul3A_220 = arith.constant 5.000000e-01 : f32
      %mul3A_221 = vector.broadcast %mul3A_220 : f32 to vector<16xf32>
      %mul3A_222 = arith.mulf %mul3A_221, %gather3A_175 : vector<16xf32>
      %mul3A_223 = arith.mulf %mul3A_222, %mul3A_219 : vector<16xf32>
      %mul3A_224 = arith.mulf %mul3A_223, %mul3A_219 : vector<16xf32>
      %sub3A_225 = arith.constant 1.500000e+00 : f32
      %sub3A_226 = vector.broadcast %sub3A_225 : f32 to vector<16xf32>
      %sub3A_227 = arith.subf %sub3A_226, %mul3A_224 : vector<16xf32>
      %mul3A_228 = arith.mulf %mul3A_219, %sub3A_227 : vector<16xf32>
      %mul3A_229 = arith.mulf %gather3A_175, %mul3A_228 : vector<16xf32>
      %add3A_230 = arith.constant 0 : i32
      %add3A_231 = vector.broadcast %add3A_230 : i32 to vector<16xi32>
      %add3A_232 = arith.addi %iota3A, %add3A_231 : vector<16xi32>
      %gather3A_233 = tpu.vector_load_idx %arg9[%add3A_232, %broadcast_in_dim3A_2] : memref<64x128xf32, #tpu.memory_space<vmem>>[vector<16xi32>, vector<16xi32>], vector<16xf32>,
      %add3A_234 = arith.constant 16 : i32
      %add3A_235 = vector.broadcast %add3A_234 : i32 to vector<16xi32>
      %add3A_236 = arith.addi %iota3A, %add3A_235 : vector<16xi32>
      %gather3A_237 = tpu.vector_load_idx %arg9[%add3A_236, %broadcast_in_dim3A_2] : memref<64x128xf32, #tpu.memory_space<vmem>>[vector<16xi32>, vector<16xi32>], vector<16xf32>,
      %add3A_238 = arith.constant 32 : i32
      %add3A_239 = vector.broadcast %add3A_238 : i32 to vector<16xi32>
      %add3A_240 = arith.addi %iota3A, %add3A_239 : vector<16xi32>
      %gather3A_241 = tpu.vector_load_idx %arg9[%add3A_240, %broadcast_in_dim3A_2] : memref<64x128xf32, #tpu.memory_space<vmem>>[vector<16xi32>, vector<16xi32>], vector<16xf32>,
      %add3A_242 = arith.constant 48 : i32
      %add3A_243 = vector.broadcast %add3A_242 : i32 to vector<16xi32>
      %add3A_244 = arith.addi %iota3A, %add3A_243 : vector<16xi32>
      %gather3A_245 = tpu.vector_load_idx %arg9[%add3A_244, %broadcast_in_dim3A_2] : memref<64x128xf32, #tpu.memory_space<vmem>>[vector<16xi32>, vector<16xi32>], vector<16xf32>,
      %add3A_246 = arith.addf %mul3A_55, %mul3A_113 : vector<16xf32>
      %add3A_247 = arith.addf %add3A_246, %mul3A_171 : vector<16xf32>
      %add3A_248 = arith.addf %add3A_247, %mul3A_229 : vector<16xf32>
      %reduce_sum3A = arith.constant true
      %reduce_sum3A_249 = vector.broadcast %reduce_sum3A : i1 to vector<16xi1>
      %reduce_sum3A_250 = tpu.scan <sum>, %add3A_248 masked %reduce_sum3A_249 : vector<16xf32>, vector<16xi1> -> vector<16xf32>
      %reduce_sum3A_251 = vector.extract %reduce_sum3A_250[15] : f32 from vector<16xf32>
      %mul3A_252 = arith.constant 1.562500e-02 : f32
      %mul3A_253 = arith.mulf %reduce_sum3A_251, %mul3A_252 : f32
      %sub3A_254 = vector.broadcast %mul3A_253 : f32 to vector<16xf32>
      %sub3A_255 = arith.subf %mul3A_55, %sub3A_254 : vector<16xf32>
      %sub3A_256 = vector.broadcast %mul3A_253 : f32 to vector<16xf32>
      %sub3A_257 = arith.subf %mul3A_113, %sub3A_256 : vector<16xf32>
      %sub3A_258 = vector.broadcast %mul3A_253 : f32 to vector<16xf32>
      %sub3A_259 = arith.subf %mul3A_171, %sub3A_258 : vector<16xf32>
      %sub3A_260 = vector.broadcast %mul3A_253 : f32 to vector<16xf32>
      %sub3A_261 = arith.subf %mul3A_229, %sub3A_260 : vector<16xf32>
      %mul3A_262 = arith.mulf %sub3A_255, %sub3A_255 : vector<16xf32>
      %reduce_sum3A_263 = arith.constant true
      %reduce_sum3A_264 = vector.broadcast %reduce_sum3A_263 : i1 to vector<16xi1>
      %reduce_sum3A_265 = tpu.scan <sum>, %mul3A_262 masked %reduce_sum3A_264 : vector<16xf32>, vector<16xi1> -> vector<16xf32>
      %reduce_sum3A_266 = vector.extract %reduce_sum3A_265[15] : f32 from vector<16xf32>
      %mul3A_267 = arith.mulf %sub3A_257, %sub3A_257 : vector<16xf32>
      %reduce_sum3A_268 = arith.constant true
      %reduce_sum3A_269 = vector.broadcast %reduce_sum3A_268 : i1 to vector<16xi1>
      %reduce_sum3A_270 = tpu.scan <sum>, %mul3A_267 masked %reduce_sum3A_269 : vector<16xf32>, vector<16xi1> -> vector<16xf32>
      %reduce_sum3A_271 = vector.extract %reduce_sum3A_270[15] : f32 from vector<16xf32>
      %add3A_272 = arith.addf %reduce_sum3A_266, %reduce_sum3A_271 : f32
      %mul3A_273 = arith.mulf %sub3A_259, %sub3A_259 : vector<16xf32>
      %reduce_sum3A_274 = arith.constant true
      %reduce_sum3A_275 = vector.broadcast %reduce_sum3A_274 : i1 to vector<16xi1>
      %reduce_sum3A_276 = tpu.scan <sum>, %mul3A_273 masked %reduce_sum3A_275 : vector<16xf32>, vector<16xi1> -> vector<16xf32>
      %reduce_sum3A_277 = vector.extract %reduce_sum3A_276[15] : f32 from vector<16xf32>
      %add3A_278 = arith.addf %add3A_272, %reduce_sum3A_277 : f32
      %mul3A_279 = arith.mulf %sub3A_261, %sub3A_261 : vector<16xf32>
      %reduce_sum3A_280 = arith.constant true
      %reduce_sum3A_281 = vector.broadcast %reduce_sum3A_280 : i1 to vector<16xi1>
      %reduce_sum3A_282 = tpu.scan <sum>, %mul3A_279 masked %reduce_sum3A_281 : vector<16xf32>, vector<16xi1> -> vector<16xf32>
      %reduce_sum3A_283 = vector.extract %reduce_sum3A_282[15] : f32 from vector<16xf32>
      %add3A_284 = arith.addf %add3A_278, %reduce_sum3A_283 : f32
      %mul3A_285 = arith.constant 1.562500e-02 : f32
      %mul3A_286 = arith.mulf %add3A_284, %mul3A_285 : f32
      %broadcast_in_dim3A_287 = arith.constant 0.000000e+00 : f32
      %broadcast_in_dim3A_288 = vector.broadcast %broadcast_in_dim3A_287 : f32 to vector<16xf32>
      %add3A_289 = vector.broadcast %mul3A_286 : f32 to vector<16xf32>
      %add3A_290 = arith.addf %broadcast_in_dim3A_288, %add3A_289 : vector<16xf32>
      %bitcast3A_291 = vector.bitcast %add3A_290 : vector<16xf32> to vector<16xi32>
      %shift_right_logical3A_292 = arith.constant 1 : i32
      %shift_right_logical3A_293 = vector.broadcast %shift_right_logical3A_292 : i32 to vector<16xi32>
      %shift_right_logical3A_294 = arith.shrui %bitcast3A_291, %shift_right_logical3A_293 : vector<16xi32>
      %sub3A_295 = arith.constant 1597463007 : i32
      %sub3A_296 = vector.broadcast %sub3A_295 : i32 to vector<16xi32>
      %sub3A_297 = arith.subi %sub3A_296, %shift_right_logical3A_294 : vector<16xi32>
      %bitcast3A_298 = vector.bitcast %sub3A_297 : vector<16xi32> to vector<16xf32>
      %mul3A_299 = arith.constant 5.000000e-01 : f32
      %mul3A_300 = vector.broadcast %mul3A_299 : f32 to vector<16xf32>
      %mul3A_301 = arith.mulf %mul3A_300, %add3A_290 : vector<16xf32>
      %mul3A_302 = arith.mulf %mul3A_301, %bitcast3A_298 : vector<16xf32>
      %mul3A_303 = arith.mulf %mul3A_302, %bitcast3A_298 : vector<16xf32>
      %sub3A_304 = arith.constant 1.500000e+00 : f32
      %sub3A_305 = vector.broadcast %sub3A_304 : f32 to vector<16xf32>
      %sub3A_306 = arith.subf %sub3A_305, %mul3A_303 : vector<16xf32>
      %mul3A_307 = arith.mulf %bitcast3A_298, %sub3A_306 : vector<16xf32>
      %mul3A_308 = arith.constant 5.000000e-01 : f32
      %mul3A_309 = vector.broadcast %mul3A_308 : f32 to vector<16xf32>
      %mul3A_310 = arith.mulf %mul3A_309, %add3A_290 : vector<16xf32>
      %mul3A_311 = arith.mulf %mul3A_310, %mul3A_307 : vector<16xf32>
      %mul3A_312 = arith.mulf %mul3A_311, %mul3A_307 : vector<16xf32>
      %sub3A_313 = arith.constant 1.500000e+00 : f32
      %sub3A_314 = vector.broadcast %sub3A_313 : f32 to vector<16xf32>
      %sub3A_315 = arith.subf %sub3A_314, %mul3A_312 : vector<16xf32>
      %mul3A_316 = arith.mulf %mul3A_307, %sub3A_315 : vector<16xf32>
      %mul3A_317 = arith.constant 5.000000e-01 : f32
      %mul3A_318 = vector.broadcast %mul3A_317 : f32 to vector<16xf32>
      %mul3A_319 = arith.mulf %mul3A_318, %add3A_290 : vector<16xf32>
      %mul3A_320 = arith.mulf %mul3A_319, %mul3A_316 : vector<16xf32>
      %mul3A_321 = arith.mulf %mul3A_320, %mul3A_316 : vector<16xf32>
      %sub3A_322 = arith.constant 1.500000e+00 : f32
      %sub3A_323 = vector.broadcast %sub3A_322 : f32 to vector<16xf32>
      %sub3A_324 = arith.subf %sub3A_323, %mul3A_321 : vector<16xf32>
      %mul3A_325 = arith.mulf %mul3A_316, %sub3A_324 : vector<16xf32>
      %mul3A_326 = arith.constant 5.000000e-01 : f32
      %mul3A_327 = vector.broadcast %mul3A_326 : f32 to vector<16xf32>
      %mul3A_328 = arith.mulf %mul3A_327, %add3A_290 : vector<16xf32>
      %mul3A_329 = arith.mulf %mul3A_328, %mul3A_325 : vector<16xf32>
      %mul3A_330 = arith.mulf %mul3A_329, %mul3A_325 : vector<16xf32>
      %sub3A_331 = arith.constant 1.500000e+00 : f32
      %sub3A_332 = vector.broadcast %sub3A_331 : f32 to vector<16xf32>
      %sub3A_333 = arith.subf %sub3A_332, %mul3A_330 : vector<16xf32>
      %mul3A_334 = arith.mulf %mul3A_325, %sub3A_333 : vector<16xf32>
      %mul3A_335 = arith.constant 5.000000e-01 : f32
      %mul3A_336 = vector.broadcast %mul3A_335 : f32 to vector<16xf32>
      %mul3A_337 = arith.mulf %mul3A_336, %add3A_290 : vector<16xf32>
      %mul3A_338 = arith.mulf %mul3A_337, %mul3A_334 : vector<16xf32>
      %mul3A_339 = arith.mulf %mul3A_338, %mul3A_334 : vector<16xf32>
      %sub3A_340 = arith.constant 1.500000e+00 : f32
      %sub3A_341 = vector.broadcast %sub3A_340 : f32 to vector<16xf32>
      %sub3A_342 = arith.subf %sub3A_341, %mul3A_339 : vector<16xf32>
      %mul3A_343 = arith.mulf %mul3A_334, %sub3A_342 : vector<16xf32>
      %mul3A_344 = arith.mulf %add3A_290, %mul3A_343 : vector<16xf32>
      %max3A = arith.constant 9.99999997E-7 : f32
      %max3A_345 = vector.broadcast %max3A : f32 to vector<16xf32>
      %max3A_346 = arith.maximumf %mul3A_344, %max3A_345 : vector<16xf32>
      %div3A = arith.divf %sub3A_255, %max3A_346 : vector<16xf32>
      %div3A_347 = arith.divf %sub3A_257, %max3A_346 : vector<16xf32>
      %div3A_348 = arith.divf %sub3A_259, %max3A_346 : vector<16xf32>
      %div3A_349 = arith.divf %sub3A_261, %max3A_346 : vector<16xf32>
      %add3A_350 = arith.addf %gather3A_233, %gather3A_237 : vector<16xf32>
      %add3A_351 = arith.addf %add3A_350, %gather3A_241 : vector<16xf32>
      %add3A_352 = arith.addf %add3A_351, %gather3A_245 : vector<16xf32>
      %reduce_sum3A_353 = arith.constant true
      %reduce_sum3A_354 = vector.broadcast %reduce_sum3A_353 : i1 to vector<16xi1>
      %reduce_sum3A_355 = tpu.scan <sum>, %add3A_352 masked %reduce_sum3A_354 : vector<16xf32>, vector<16xi1> -> vector<16xf32>
      %reduce_sum3A_356 = vector.extract %reduce_sum3A_355[15] : f32 from vector<16xf32>
      %mul3A_357 = arith.constant 1.562500e-02 : f32
      %mul3A_358 = arith.mulf %reduce_sum3A_356, %mul3A_357 : f32
      %sub3A_359 = vector.broadcast %mul3A_358 : f32 to vector<16xf32>
      %sub3A_360 = arith.subf %gather3A_233, %sub3A_359 : vector<16xf32>
      %sub3A_361 = vector.broadcast %mul3A_358 : f32 to vector<16xf32>
      %sub3A_362 = arith.subf %gather3A_237, %sub3A_361 : vector<16xf32>
      %sub3A_363 = vector.broadcast %mul3A_358 : f32 to vector<16xf32>
      %sub3A_364 = arith.subf %gather3A_241, %sub3A_363 : vector<16xf32>
      %sub3A_365 = vector.broadcast %mul3A_358 : f32 to vector<16xf32>
      %sub3A_366 = arith.subf %gather3A_245, %sub3A_365 : vector<16xf32>
      %mul3A_367 = arith.mulf %sub3A_360, %sub3A_360 : vector<16xf32>
      %reduce_sum3A_368 = arith.constant true
      %reduce_sum3A_369 = vector.broadcast %reduce_sum3A_368 : i1 to vector<16xi1>
      %reduce_sum3A_370 = tpu.scan <sum>, %mul3A_367 masked %reduce_sum3A_369 : vector<16xf32>, vector<16xi1> -> vector<16xf32>
      %reduce_sum3A_371 = vector.extract %reduce_sum3A_370[15] : f32 from vector<16xf32>
      %mul3A_372 = arith.mulf %sub3A_362, %sub3A_362 : vector<16xf32>
      %reduce_sum3A_373 = arith.constant true
      %reduce_sum3A_374 = vector.broadcast %reduce_sum3A_373 : i1 to vector<16xi1>
      %reduce_sum3A_375 = tpu.scan <sum>, %mul3A_372 masked %reduce_sum3A_374 : vector<16xf32>, vector<16xi1> -> vector<16xf32>
      %reduce_sum3A_376 = vector.extract %reduce_sum3A_375[15] : f32 from vector<16xf32>
      %add3A_377 = arith.addf %reduce_sum3A_371, %reduce_sum3A_376 : f32
      %mul3A_378 = arith.mulf %sub3A_364, %sub3A_364 : vector<16xf32>
      %reduce_sum3A_379 = arith.constant true
      %reduce_sum3A_380 = vector.broadcast %reduce_sum3A_379 : i1 to vector<16xi1>
      %reduce_sum3A_381 = tpu.scan <sum>, %mul3A_378 masked %reduce_sum3A_380 : vector<16xf32>, vector<16xi1> -> vector<16xf32>
      %reduce_sum3A_382 = vector.extract %reduce_sum3A_381[15] : f32 from vector<16xf32>
      %add3A_383 = arith.addf %add3A_377, %reduce_sum3A_382 : f32
      %mul3A_384 = arith.mulf %sub3A_366, %sub3A_366 : vector<16xf32>
      %reduce_sum3A_385 = arith.constant true
      %reduce_sum3A_386 = vector.broadcast %reduce_sum3A_385 : i1 to vector<16xi1>
      %reduce_sum3A_387 = tpu.scan <sum>, %mul3A_384 masked %reduce_sum3A_386 : vector<16xf32>, vector<16xi1> -> vector<16xf32>
      %reduce_sum3A_388 = vector.extract %reduce_sum3A_387[15] : f32 from vector<16xf32>
      %add3A_389 = arith.addf %add3A_383, %reduce_sum3A_388 : f32
      %mul3A_390 = arith.constant 1.562500e-02 : f32
      %mul3A_391 = arith.mulf %add3A_389, %mul3A_390 : f32
      %broadcast_in_dim3A_392 = arith.constant 0.000000e+00 : f32
      %broadcast_in_dim3A_393 = vector.broadcast %broadcast_in_dim3A_392 : f32 to vector<16xf32>
      %add3A_394 = vector.broadcast %mul3A_391 : f32 to vector<16xf32>
      %add3A_395 = arith.addf %broadcast_in_dim3A_393, %add3A_394 : vector<16xf32>
      %bitcast3A_396 = vector.bitcast %add3A_395 : vector<16xf32> to vector<16xi32>
      %shift_right_logical3A_397 = arith.constant 1 : i32
      %shift_right_logical3A_398 = vector.broadcast %shift_right_logical3A_397 : i32 to vector<16xi32>
      %shift_right_logical3A_399 = arith.shrui %bitcast3A_396, %shift_right_logical3A_398 : vector<16xi32>
      %sub3A_400 = arith.constant 1597463007 : i32
      %sub3A_401 = vector.broadcast %sub3A_400 : i32 to vector<16xi32>
      %sub3A_402 = arith.subi %sub3A_401, %shift_right_logical3A_399 : vector<16xi32>
      %bitcast3A_403 = vector.bitcast %sub3A_402 : vector<16xi32> to vector<16xf32>
      %mul3A_404 = arith.constant 5.000000e-01 : f32
      %mul3A_405 = vector.broadcast %mul3A_404 : f32 to vector<16xf32>
      %mul3A_406 = arith.mulf %mul3A_405, %add3A_395 : vector<16xf32>
      %mul3A_407 = arith.mulf %mul3A_406, %bitcast3A_403 : vector<16xf32>
      %mul3A_408 = arith.mulf %mul3A_407, %bitcast3A_403 : vector<16xf32>
      %sub3A_409 = arith.constant 1.500000e+00 : f32
      %sub3A_410 = vector.broadcast %sub3A_409 : f32 to vector<16xf32>
      %sub3A_411 = arith.subf %sub3A_410, %mul3A_408 : vector<16xf32>
      %mul3A_412 = arith.mulf %bitcast3A_403, %sub3A_411 : vector<16xf32>
      %mul3A_413 = arith.constant 5.000000e-01 : f32
      %mul3A_414 = vector.broadcast %mul3A_413 : f32 to vector<16xf32>
      %mul3A_415 = arith.mulf %mul3A_414, %add3A_395 : vector<16xf32>
      %mul3A_416 = arith.mulf %mul3A_415, %mul3A_412 : vector<16xf32>
      %mul3A_417 = arith.mulf %mul3A_416, %mul3A_412 : vector<16xf32>
      %sub3A_418 = arith.constant 1.500000e+00 : f32
      %sub3A_419 = vector.broadcast %sub3A_418 : f32 to vector<16xf32>
      %sub3A_420 = arith.subf %sub3A_419, %mul3A_417 : vector<16xf32>
      %mul3A_421 = arith.mulf %mul3A_412, %sub3A_420 : vector<16xf32>
      %mul3A_422 = arith.constant 5.000000e-01 : f32
      %mul3A_423 = vector.broadcast %mul3A_422 : f32 to vector<16xf32>
      %mul3A_424 = arith.mulf %mul3A_423, %add3A_395 : vector<16xf32>
      %mul3A_425 = arith.mulf %mul3A_424, %mul3A_421 : vector<16xf32>
      %mul3A_426 = arith.mulf %mul3A_425, %mul3A_421 : vector<16xf32>
      %sub3A_427 = arith.constant 1.500000e+00 : f32
      %sub3A_428 = vector.broadcast %sub3A_427 : f32 to vector<16xf32>
      %sub3A_429 = arith.subf %sub3A_428, %mul3A_426 : vector<16xf32>
      %mul3A_430 = arith.mulf %mul3A_421, %sub3A_429 : vector<16xf32>
      %mul3A_431 = arith.constant 5.000000e-01 : f32
      %mul3A_432 = vector.broadcast %mul3A_431 : f32 to vector<16xf32>
      %mul3A_433 = arith.mulf %mul3A_432, %add3A_395 : vector<16xf32>
      %mul3A_434 = arith.mulf %mul3A_433, %mul3A_430 : vector<16xf32>
      %mul3A_435 = arith.mulf %mul3A_434, %mul3A_430 : vector<16xf32>
      %sub3A_436 = arith.constant 1.500000e+00 : f32
      %sub3A_437 = vector.broadcast %sub3A_436 : f32 to vector<16xf32>
      %sub3A_438 = arith.subf %sub3A_437, %mul3A_435 : vector<16xf32>
      %mul3A_439 = arith.mulf %mul3A_430, %sub3A_438 : vector<16xf32>
      %mul3A_440 = arith.constant 5.000000e-01 : f32
      %mul3A_441 = vector.broadcast %mul3A_440 : f32 to vector<16xf32>
      %mul3A_442 = arith.mulf %mul3A_441, %add3A_395 : vector<16xf32>
      %mul3A_443 = arith.mulf %mul3A_442, %mul3A_439 : vector<16xf32>
      %mul3A_444 = arith.mulf %mul3A_443, %mul3A_439 : vector<16xf32>
      %sub3A_445 = arith.constant 1.500000e+00 : f32
      %sub3A_446 = vector.broadcast %sub3A_445 : f32 to vector<16xf32>
      %sub3A_447 = arith.subf %sub3A_446, %mul3A_444 : vector<16xf32>
      %mul3A_448 = arith.mulf %mul3A_439, %sub3A_447 : vector<16xf32>
      %mul3A_449 = arith.mulf %add3A_395, %mul3A_448 : vector<16xf32>
      %max3A_450 = arith.constant 9.99999997E-7 : f32
      %max3A_451 = vector.broadcast %max3A_450 : f32 to vector<16xf32>
      %max3A_452 = arith.maximumf %mul3A_449, %max3A_451 : vector<16xf32>
      %div3A_453 = arith.divf %sub3A_360, %max3A_452 : vector<16xf32>
      %div3A_454 = arith.divf %sub3A_362, %max3A_452 : vector<16xf32>
      %div3A_455 = arith.divf %sub3A_364, %max3A_452 : vector<16xf32>
      %div3A_456 = arith.divf %sub3A_366, %max3A_452 : vector<16xf32>
      %add3A_457 = arith.addf %div3A, %div3A_453 : vector<16xf32>
      %add3A_458 = arith.addf %div3A_347, %div3A_454 : vector<16xf32>
      %add3A_459 = arith.addf %div3A_348, %div3A_455 : vector<16xf32>
      %add3A_460 = arith.addf %div3A_349, %div3A_456 : vector<16xf32>
      %lt3A_461 = arith.constant 0 : i32
      %lt3A_462 = vector.broadcast %lt3A_461 : i32 to vector<16xi32>
      %lt3A_463 = arith.cmpi slt, %iota3A, %lt3A_462 : vector<16xi32>
      %lt3A_464 = arith.constant 0 : i32
      %lt3A_465 = vector.broadcast %lt3A_464 : i32 to vector<16xi32>
      %lt3A_466 = arith.cmpi slt, %iota3A, %lt3A_465 : vector<16xi32>
      %lt3A_467 = arith.constant 0 : i32
      %lt3A_468 = vector.broadcast %lt3A_467 : i32 to vector<16xi32>
      %lt3A_469 = arith.cmpi slt, %iota3A, %lt3A_468 : vector<16xi32>
      %lt3A_470 = arith.constant 0 : i32
      %lt3A_471 = vector.broadcast %lt3A_470 : i32 to vector<16xi32>
      %lt3A_472 = arith.cmpi slt, %iota3A, %lt3A_471 : vector<16xi32>
      %max3A_473 = arith.maximumf %add3A_457, %add3A_458 : vector<16xf32>
      %max3A_474 = arith.maximumf %add3A_459, %add3A_460 : vector<16xf32>
      %max3A_475 = arith.maximumf %max3A_473, %max3A_474 : vector<16xf32>
      %reduce_max3A = arith.constant true
      %reduce_max3A_476 = vector.broadcast %reduce_max3A : i1 to vector<16xi1>
      %reduce_max3A_477 = tpu.scan <max>, %max3A_475 masked %reduce_max3A_476 : vector<16xf32>, vector<16xi1> -> vector<16xf32>
      %reduce_max3A_478 = vector.extract %reduce_max3A_477[15] : f32 from vector<16xf32>
      %ge3A = vector.broadcast %reduce_max3A_478 : f32 to vector<16xf32>
      %ge3A_479 = arith.cmpf oge, %add3A_457, %ge3A : vector<16xf32>
      %add3A_480 = arith.constant 0 : i32
      %add3A_481 = vector.broadcast %add3A_480 : i32 to vector<16xi32>
      %add3A_482 = arith.addi %iota3A, %add3A_481 : vector<16xi32>
      %jit3A = arith.constant 64 : i32
      %broadcast_in_dim3A_483 = vector.broadcast %jit3A : i32 to vector<16xi32>
      %select_n3A = arith.select %ge3A_479, %add3A_482, %broadcast_in_dim3A_483 : vector<16xi1>, vector<16xi32>
      %ge3A_484 = vector.broadcast %reduce_max3A_478 : f32 to vector<16xf32>
      %ge3A_485 = arith.cmpf oge, %add3A_458, %ge3A_484 : vector<16xf32>
      %add3A_486 = arith.constant 16 : i32
      %add3A_487 = vector.broadcast %add3A_486 : i32 to vector<16xi32>
      %add3A_488 = arith.addi %iota3A, %add3A_487 : vector<16xi32>
      %jit3A_489 = arith.constant 64 : i32
      %broadcast_in_dim3A_490 = vector.broadcast %jit3A_489 : i32 to vector<16xi32>
      %select_n3A_491 = arith.select %ge3A_485, %add3A_488, %broadcast_in_dim3A_490 : vector<16xi1>, vector<16xi32>
      %ge3A_492 = vector.broadcast %reduce_max3A_478 : f32 to vector<16xf32>
      %ge3A_493 = arith.cmpf oge, %add3A_459, %ge3A_492 : vector<16xf32>
      %add3A_494 = arith.constant 32 : i32
      %add3A_495 = vector.broadcast %add3A_494 : i32 to vector<16xi32>
      %add3A_496 = arith.addi %iota3A, %add3A_495 : vector<16xi32>
      %jit3A_497 = arith.constant 64 : i32
      %broadcast_in_dim3A_498 = vector.broadcast %jit3A_497 : i32 to vector<16xi32>
      %select_n3A_499 = arith.select %ge3A_493, %add3A_496, %broadcast_in_dim3A_498 : vector<16xi1>, vector<16xi32>
      %ge3A_500 = vector.broadcast %reduce_max3A_478 : f32 to vector<16xf32>
      %ge3A_501 = arith.cmpf oge, %add3A_460, %ge3A_500 : vector<16xf32>
      %add3A_502 = arith.constant 48 : i32
      %add3A_503 = vector.broadcast %add3A_502 : i32 to vector<16xi32>
      %add3A_504 = arith.addi %iota3A, %add3A_503 : vector<16xi32>
      %jit3A_505 = arith.constant 64 : i32
      %broadcast_in_dim3A_506 = vector.broadcast %jit3A_505 : i32 to vector<16xi32>
      %select_n3A_507 = arith.select %ge3A_501, %add3A_504, %broadcast_in_dim3A_506 : vector<16xi1>, vector<16xi32>
      %min3A = arith.minsi %select_n3A, %select_n3A_491 : vector<16xi32>
      %min3A_508 = arith.minsi %select_n3A_499, %select_n3A_507 : vector<16xi32>
      %min3A_509 = arith.minsi %min3A, %min3A_508 : vector<16xi32>
      %reduce_min3A = arith.constant true
      %reduce_min3A_510 = vector.broadcast %reduce_min3A : i1 to vector<16xi1>
      %reduce_min3A_511 = arith.constant -2147483648 : i32
      %reduce_min3A_512 = vector.broadcast %reduce_min3A_511 : i32 to vector<16xi32>
      %reduce_min3A_513 = arith.xori %min3A_509, %reduce_min3A_512 : vector<16xi32>
      %reduce_min3A_514 = tpu.scan <min>, %reduce_min3A_513 masked %reduce_min3A_510 : vector<16xi32>, vector<16xi1> -> vector<16xi32>
      %reduce_min3A_515 = arith.xori %reduce_min3A_514, %reduce_min3A_512 : vector<16xi32>
      %reduce_min3A_516 = vector.extract %reduce_min3A_515[15] : i32 from vector<16xi32>
      %add3A_517 = arith.constant 0 : i32
      %add3A_518 = vector.broadcast %add3A_517 : i32 to vector<16xi32>
      %add3A_519 = arith.addi %iota3A, %add3A_518 : vector<16xi32>
      %eq3A = vector.broadcast %reduce_min3A_516 : i32 to vector<16xi32>
      %eq3A_520 = arith.cmpi eq, %add3A_519, %eq3A : vector<16xi32>
      %or3A = arith.ori %lt3A_463, %eq3A_520 : vector<16xi1>
      %jit3A_521 = arith.constant -3.000000e+38 : f32
      %broadcast_in_dim3A_522 = vector.broadcast %jit3A_521 : f32 to vector<16xf32>
      %select_n3A_523 = arith.select %eq3A_520, %broadcast_in_dim3A_522, %add3A_457 : vector<16xi1>, vector<16xf32>
      %add3A_524 = arith.constant 16 : i32
      %add3A_525 = vector.broadcast %add3A_524 : i32 to vector<16xi32>
      %add3A_526 = arith.addi %iota3A, %add3A_525 : vector<16xi32>
      %eq3A_527 = vector.broadcast %reduce_min3A_516 : i32 to vector<16xi32>
      %eq3A_528 = arith.cmpi eq, %add3A_526, %eq3A_527 : vector<16xi32>
      %or3A_529 = arith.ori %lt3A_466, %eq3A_528 : vector<16xi1>
      %jit3A_530 = arith.constant -3.000000e+38 : f32
      %broadcast_in_dim3A_531 = vector.broadcast %jit3A_530 : f32 to vector<16xf32>
      %select_n3A_532 = arith.select %eq3A_528, %broadcast_in_dim3A_531, %add3A_458 : vector<16xi1>, vector<16xf32>
      %add3A_533 = arith.constant 32 : i32
      %add3A_534 = vector.broadcast %add3A_533 : i32 to vector<16xi32>
      %add3A_535 = arith.addi %iota3A, %add3A_534 : vector<16xi32>
      %eq3A_536 = vector.broadcast %reduce_min3A_516 : i32 to vector<16xi32>
      %eq3A_537 = arith.cmpi eq, %add3A_535, %eq3A_536 : vector<16xi32>
      %or3A_538 = arith.ori %lt3A_469, %eq3A_537 : vector<16xi1>
      %jit3A_539 = arith.constant -3.000000e+38 : f32
      %broadcast_in_dim3A_540 = vector.broadcast %jit3A_539 : f32 to vector<16xf32>
      %select_n3A_541 = arith.select %eq3A_537, %broadcast_in_dim3A_540, %add3A_459 : vector<16xi1>, vector<16xf32>
      %add3A_542 = arith.constant 48 : i32
      %add3A_543 = vector.broadcast %add3A_542 : i32 to vector<16xi32>
      %add3A_544 = arith.addi %iota3A, %add3A_543 : vector<16xi32>
      %eq3A_545 = vector.broadcast %reduce_min3A_516 : i32 to vector<16xi32>
      %eq3A_546 = arith.cmpi eq, %add3A_544, %eq3A_545 : vector<16xi32>
      %or3A_547 = arith.ori %lt3A_472, %eq3A_546 : vector<16xi1>
      %jit3A_548 = arith.constant -3.000000e+38 : f32
      %broadcast_in_dim3A_549 = vector.broadcast %jit3A_548 : f32 to vector<16xf32>
      %select_n3A_550 = arith.select %eq3A_546, %broadcast_in_dim3A_549, %add3A_460 : vector<16xi1>, vector<16xf32>
      %max3A_551 = arith.maximumf %select_n3A_523, %select_n3A_532 : vector<16xf32>
      %max3A_552 = arith.maximumf %select_n3A_541, %select_n3A_550 : vector<16xf32>
      %max3A_553 = arith.maximumf %max3A_551, %max3A_552 : vector<16xf32>
      %reduce_max3A_554 = arith.constant true
      %reduce_max3A_555 = vector.broadcast %reduce_max3A_554 : i1 to vector<16xi1>
      %reduce_max3A_556 = tpu.scan <max>, %max3A_553 masked %reduce_max3A_555 : vector<16xf32>, vector<16xi1> -> vector<16xf32>
      %reduce_max3A_557 = vector.extract %reduce_max3A_556[15] : f32 from vector<16xf32>
      %ge3A_558 = vector.broadcast %reduce_max3A_557 : f32 to vector<16xf32>
      %ge3A_559 = arith.cmpf oge, %select_n3A_523, %ge3A_558 : vector<16xf32>
      %add3A_560 = arith.constant 0 : i32
      %add3A_561 = vector.broadcast %add3A_560 : i32 to vector<16xi32>
      %add3A_562 = arith.addi %iota3A, %add3A_561 : vector<16xi32>
      %jit3A_563 = arith.constant 64 : i32
      %broadcast_in_dim3A_564 = vector.broadcast %jit3A_563 : i32 to vector<16xi32>
      %select_n3A_565 = arith.select %ge3A_559, %add3A_562, %broadcast_in_dim3A_564 : vector<16xi1>, vector<16xi32>
      %ge3A_566 = vector.broadcast %reduce_max3A_557 : f32 to vector<16xf32>
      %ge3A_567 = arith.cmpf oge, %select_n3A_532, %ge3A_566 : vector<16xf32>
      %add3A_568 = arith.constant 16 : i32
      %add3A_569 = vector.broadcast %add3A_568 : i32 to vector<16xi32>
      %add3A_570 = arith.addi %iota3A, %add3A_569 : vector<16xi32>
      %jit3A_571 = arith.constant 64 : i32
      %broadcast_in_dim3A_572 = vector.broadcast %jit3A_571 : i32 to vector<16xi32>
      %select_n3A_573 = arith.select %ge3A_567, %add3A_570, %broadcast_in_dim3A_572 : vector<16xi1>, vector<16xi32>
      %ge3A_574 = vector.broadcast %reduce_max3A_557 : f32 to vector<16xf32>
      %ge3A_575 = arith.cmpf oge, %select_n3A_541, %ge3A_574 : vector<16xf32>
      %add3A_576 = arith.constant 32 : i32
      %add3A_577 = vector.broadcast %add3A_576 : i32 to vector<16xi32>
      %add3A_578 = arith.addi %iota3A, %add3A_577 : vector<16xi32>
      %jit3A_579 = arith.constant 64 : i32
      %broadcast_in_dim3A_580 = vector.broadcast %jit3A_579 : i32 to vector<16xi32>
      %select_n3A_581 = arith.select %ge3A_575, %add3A_578, %broadcast_in_dim3A_580 : vector<16xi1>, vector<16xi32>
      %ge3A_582 = vector.broadcast %reduce_max3A_557 : f32 to vector<16xf32>
      %ge3A_583 = arith.cmpf oge, %select_n3A_550, %ge3A_582 : vector<16xf32>
      %add3A_584 = arith.constant 48 : i32
      %add3A_585 = vector.broadcast %add3A_584 : i32 to vector<16xi32>
      %add3A_586 = arith.addi %iota3A, %add3A_585 : vector<16xi32>
      %jit3A_587 = arith.constant 64 : i32
      %broadcast_in_dim3A_588 = vector.broadcast %jit3A_587 : i32 to vector<16xi32>
      %select_n3A_589 = arith.select %ge3A_583, %add3A_586, %broadcast_in_dim3A_588 : vector<16xi1>, vector<16xi32>
      %min3A_590 = arith.minsi %select_n3A_565, %select_n3A_573 : vector<16xi32>
      %min3A_591 = arith.minsi %select_n3A_581, %select_n3A_589 : vector<16xi32>
      %min3A_592 = arith.minsi %min3A_590, %min3A_591 : vector<16xi32>
      %reduce_min3A_593 = arith.constant true
      %reduce_min3A_594 = vector.broadcast %reduce_min3A_593 : i1 to vector<16xi1>
      %reduce_min3A_595 = arith.constant -2147483648 : i32
      %reduce_min3A_596 = vector.broadcast %reduce_min3A_595 : i32 to vector<16xi32>
      %reduce_min3A_597 = arith.xori %min3A_592, %reduce_min3A_596 : vector<16xi32>
      %reduce_min3A_598 = tpu.scan <min>, %reduce_min3A_597 masked %reduce_min3A_594 : vector<16xi32>, vector<16xi1> -> vector<16xi32>
      %reduce_min3A_599 = arith.xori %reduce_min3A_598, %reduce_min3A_596 : vector<16xi32>
      %reduce_min3A_600 = vector.extract %reduce_min3A_599[15] : i32 from vector<16xi32>
      %add3A_601 = arith.constant 0 : i32
      %add3A_602 = vector.broadcast %add3A_601 : i32 to vector<16xi32>
      %add3A_603 = arith.addi %iota3A, %add3A_602 : vector<16xi32>
      %eq3A_604 = vector.broadcast %reduce_min3A_600 : i32 to vector<16xi32>
      %eq3A_605 = arith.cmpi eq, %add3A_603, %eq3A_604 : vector<16xi32>
      %or3A_606 = arith.ori %or3A, %eq3A_605 : vector<16xi1>
      %jit3A_607 = arith.constant -3.000000e+38 : f32
      %broadcast_in_dim3A_608 = vector.broadcast %jit3A_607 : f32 to vector<16xf32>
      %select_n3A_609 = arith.select %eq3A_605, %broadcast_in_dim3A_608, %select_n3A_523 : vector<16xi1>, vector<16xf32>
      %add3A_610 = arith.constant 16 : i32
      %add3A_611 = vector.broadcast %add3A_610 : i32 to vector<16xi32>
      %add3A_612 = arith.addi %iota3A, %add3A_611 : vector<16xi32>
      %eq3A_613 = vector.broadcast %reduce_min3A_600 : i32 to vector<16xi32>
      %eq3A_614 = arith.cmpi eq, %add3A_612, %eq3A_613 : vector<16xi32>
      %or3A_615 = arith.ori %or3A_529, %eq3A_614 : vector<16xi1>
      %jit3A_616 = arith.constant -3.000000e+38 : f32
      %broadcast_in_dim3A_617 = vector.broadcast %jit3A_616 : f32 to vector<16xf32>
      %select_n3A_618 = arith.select %eq3A_614, %broadcast_in_dim3A_617, %select_n3A_532 : vector<16xi1>, vector<16xf32>
      %add3A_619 = arith.constant 32 : i32
      %add3A_620 = vector.broadcast %add3A_619 : i32 to vector<16xi32>
      %add3A_621 = arith.addi %iota3A, %add3A_620 : vector<16xi32>
      %eq3A_622 = vector.broadcast %reduce_min3A_600 : i32 to vector<16xi32>
      %eq3A_623 = arith.cmpi eq, %add3A_621, %eq3A_622 : vector<16xi32>
      %or3A_624 = arith.ori %or3A_538, %eq3A_623 : vector<16xi1>
      %jit3A_625 = arith.constant -3.000000e+38 : f32
      %broadcast_in_dim3A_626 = vector.broadcast %jit3A_625 : f32 to vector<16xf32>
      %select_n3A_627 = arith.select %eq3A_623, %broadcast_in_dim3A_626, %select_n3A_541 : vector<16xi1>, vector<16xf32>
      %add3A_628 = arith.constant 48 : i32
      %add3A_629 = vector.broadcast %add3A_628 : i32 to vector<16xi32>
      %add3A_630 = arith.addi %iota3A, %add3A_629 : vector<16xi32>
      %eq3A_631 = vector.broadcast %reduce_min3A_600 : i32 to vector<16xi32>
      %eq3A_632 = arith.cmpi eq, %add3A_630, %eq3A_631 : vector<16xi32>
      %or3A_633 = arith.ori %or3A_547, %eq3A_632 : vector<16xi1>
      %jit3A_634 = arith.constant -3.000000e+38 : f32
      %broadcast_in_dim3A_635 = vector.broadcast %jit3A_634 : f32 to vector<16xf32>
      %select_n3A_636 = arith.select %eq3A_632, %broadcast_in_dim3A_635, %select_n3A_550 : vector<16xi1>, vector<16xf32>
      %max3A_637 = arith.maximumf %select_n3A_609, %select_n3A_618 : vector<16xf32>
      %max3A_638 = arith.maximumf %select_n3A_627, %select_n3A_636 : vector<16xf32>
      %max3A_639 = arith.maximumf %max3A_637, %max3A_638 : vector<16xf32>
      %reduce_max3A_640 = arith.constant true
      %reduce_max3A_641 = vector.broadcast %reduce_max3A_640 : i1 to vector<16xi1>
      %reduce_max3A_642 = tpu.scan <max>, %max3A_639 masked %reduce_max3A_641 : vector<16xf32>, vector<16xi1> -> vector<16xf32>
      %reduce_max3A_643 = vector.extract %reduce_max3A_642[15] : f32 from vector<16xf32>
      %ge3A_644 = vector.broadcast %reduce_max3A_643 : f32 to vector<16xf32>
      %ge3A_645 = arith.cmpf oge, %select_n3A_609, %ge3A_644 : vector<16xf32>
      %add3A_646 = arith.constant 0 : i32
      %add3A_647 = vector.broadcast %add3A_646 : i32 to vector<16xi32>
      %add3A_648 = arith.addi %iota3A, %add3A_647 : vector<16xi32>
      %jit3A_649 = arith.constant 64 : i32
      %broadcast_in_dim3A_650 = vector.broadcast %jit3A_649 : i32 to vector<16xi32>
      %select_n3A_651 = arith.select %ge3A_645, %add3A_648, %broadcast_in_dim3A_650 : vector<16xi1>, vector<16xi32>
      %ge3A_652 = vector.broadcast %reduce_max3A_643 : f32 to vector<16xf32>
      %ge3A_653 = arith.cmpf oge, %select_n3A_618, %ge3A_652 : vector<16xf32>
      %add3A_654 = arith.constant 16 : i32
      %add3A_655 = vector.broadcast %add3A_654 : i32 to vector<16xi32>
      %add3A_656 = arith.addi %iota3A, %add3A_655 : vector<16xi32>
      %jit3A_657 = arith.constant 64 : i32
      %broadcast_in_dim3A_658 = vector.broadcast %jit3A_657 : i32 to vector<16xi32>
      %select_n3A_659 = arith.select %ge3A_653, %add3A_656, %broadcast_in_dim3A_658 : vector<16xi1>, vector<16xi32>
      %ge3A_660 = vector.broadcast %reduce_max3A_643 : f32 to vector<16xf32>
      %ge3A_661 = arith.cmpf oge, %select_n3A_627, %ge3A_660 : vector<16xf32>
      %add3A_662 = arith.constant 32 : i32
      %add3A_663 = vector.broadcast %add3A_662 : i32 to vector<16xi32>
      %add3A_664 = arith.addi %iota3A, %add3A_663 : vector<16xi32>
      %jit3A_665 = arith.constant 64 : i32
      %broadcast_in_dim3A_666 = vector.broadcast %jit3A_665 : i32 to vector<16xi32>
      %select_n3A_667 = arith.select %ge3A_661, %add3A_664, %broadcast_in_dim3A_666 : vector<16xi1>, vector<16xi32>
      %ge3A_668 = vector.broadcast %reduce_max3A_643 : f32 to vector<16xf32>
      %ge3A_669 = arith.cmpf oge, %select_n3A_636, %ge3A_668 : vector<16xf32>
      %add3A_670 = arith.constant 48 : i32
      %add3A_671 = vector.broadcast %add3A_670 : i32 to vector<16xi32>
      %add3A_672 = arith.addi %iota3A, %add3A_671 : vector<16xi32>
      %jit3A_673 = arith.constant 64 : i32
      %broadcast_in_dim3A_674 = vector.broadcast %jit3A_673 : i32 to vector<16xi32>
      %select_n3A_675 = arith.select %ge3A_669, %add3A_672, %broadcast_in_dim3A_674 : vector<16xi1>, vector<16xi32>
      %min3A_676 = arith.minsi %select_n3A_651, %select_n3A_659 : vector<16xi32>
      %min3A_677 = arith.minsi %select_n3A_667, %select_n3A_675 : vector<16xi32>
      %min3A_678 = arith.minsi %min3A_676, %min3A_677 : vector<16xi32>
      %reduce_min3A_679 = arith.constant true
      %reduce_min3A_680 = vector.broadcast %reduce_min3A_679 : i1 to vector<16xi1>
      %reduce_min3A_681 = arith.constant -2147483648 : i32
      %reduce_min3A_682 = vector.broadcast %reduce_min3A_681 : i32 to vector<16xi32>
      %reduce_min3A_683 = arith.xori %min3A_678, %reduce_min3A_682 : vector<16xi32>
      %reduce_min3A_684 = tpu.scan <min>, %reduce_min3A_683 masked %reduce_min3A_680 : vector<16xi32>, vector<16xi1> -> vector<16xi32>
      %reduce_min3A_685 = arith.xori %reduce_min3A_684, %reduce_min3A_682 : vector<16xi32>
      %reduce_min3A_686 = vector.extract %reduce_min3A_685[15] : i32 from vector<16xi32>
      %add3A_687 = arith.constant 0 : i32
      %add3A_688 = vector.broadcast %add3A_687 : i32 to vector<16xi32>
      %add3A_689 = arith.addi %iota3A, %add3A_688 : vector<16xi32>
      %eq3A_690 = vector.broadcast %reduce_min3A_686 : i32 to vector<16xi32>
      %eq3A_691 = arith.cmpi eq, %add3A_689, %eq3A_690 : vector<16xi32>
      %or3A_692 = arith.ori %or3A_606, %eq3A_691 : vector<16xi1>
      %jit3A_693 = arith.constant -3.000000e+38 : f32
      %broadcast_in_dim3A_694 = vector.broadcast %jit3A_693 : f32 to vector<16xf32>
      %select_n3A_695 = arith.select %eq3A_691, %broadcast_in_dim3A_694, %select_n3A_609 : vector<16xi1>, vector<16xf32>
      %add3A_696 = arith.constant 16 : i32
      %add3A_697 = vector.broadcast %add3A_696 : i32 to vector<16xi32>
      %add3A_698 = arith.addi %iota3A, %add3A_697 : vector<16xi32>
      %eq3A_699 = vector.broadcast %reduce_min3A_686 : i32 to vector<16xi32>
      %eq3A_700 = arith.cmpi eq, %add3A_698, %eq3A_699 : vector<16xi32>
      %or3A_701 = arith.ori %or3A_615, %eq3A_700 : vector<16xi1>
      %jit3A_702 = arith.constant -3.000000e+38 : f32
      %broadcast_in_dim3A_703 = vector.broadcast %jit3A_702 : f32 to vector<16xf32>
      %select_n3A_704 = arith.select %eq3A_700, %broadcast_in_dim3A_703, %select_n3A_618 : vector<16xi1>, vector<16xf32>
      %add3A_705 = arith.constant 32 : i32
      %add3A_706 = vector.broadcast %add3A_705 : i32 to vector<16xi32>
      %add3A_707 = arith.addi %iota3A, %add3A_706 : vector<16xi32>
      %eq3A_708 = vector.broadcast %reduce_min3A_686 : i32 to vector<16xi32>
      %eq3A_709 = arith.cmpi eq, %add3A_707, %eq3A_708 : vector<16xi32>
      %or3A_710 = arith.ori %or3A_624, %eq3A_709 : vector<16xi1>
      %jit3A_711 = arith.constant -3.000000e+38 : f32
      %broadcast_in_dim3A_712 = vector.broadcast %jit3A_711 : f32 to vector<16xf32>
      %select_n3A_713 = arith.select %eq3A_709, %broadcast_in_dim3A_712, %select_n3A_627 : vector<16xi1>, vector<16xf32>
      %add3A_714 = arith.constant 48 : i32
      %add3A_715 = vector.broadcast %add3A_714 : i32 to vector<16xi32>
      %add3A_716 = arith.addi %iota3A, %add3A_715 : vector<16xi32>
      %eq3A_717 = vector.broadcast %reduce_min3A_686 : i32 to vector<16xi32>
      %eq3A_718 = arith.cmpi eq, %add3A_716, %eq3A_717 : vector<16xi32>
      %or3A_719 = arith.ori %or3A_633, %eq3A_718 : vector<16xi1>
      %jit3A_720 = arith.constant -3.000000e+38 : f32
      %broadcast_in_dim3A_721 = vector.broadcast %jit3A_720 : f32 to vector<16xf32>
      %select_n3A_722 = arith.select %eq3A_718, %broadcast_in_dim3A_721, %select_n3A_636 : vector<16xi1>, vector<16xf32>
      %max3A_723 = arith.maximumf %select_n3A_695, %select_n3A_704 : vector<16xf32>
      %max3A_724 = arith.maximumf %select_n3A_713, %select_n3A_722 : vector<16xf32>
      %max3A_725 = arith.maximumf %max3A_723, %max3A_724 : vector<16xf32>
      %reduce_max3A_726 = arith.constant true
      %reduce_max3A_727 = vector.broadcast %reduce_max3A_726 : i1 to vector<16xi1>
      %reduce_max3A_728 = tpu.scan <max>, %max3A_725 masked %reduce_max3A_727 : vector<16xf32>, vector<16xi1> -> vector<16xf32>
      %reduce_max3A_729 = vector.extract %reduce_max3A_728[15] : f32 from vector<16xf32>
      %ge3A_730 = vector.broadcast %reduce_max3A_729 : f32 to vector<16xf32>
      %ge3A_731 = arith.cmpf oge, %select_n3A_695, %ge3A_730 : vector<16xf32>
      %add3A_732 = arith.constant 0 : i32
      %add3A_733 = vector.broadcast %add3A_732 : i32 to vector<16xi32>
      %add3A_734 = arith.addi %iota3A, %add3A_733 : vector<16xi32>
      %jit3A_735 = arith.constant 64 : i32
      %broadcast_in_dim3A_736 = vector.broadcast %jit3A_735 : i32 to vector<16xi32>
      %select_n3A_737 = arith.select %ge3A_731, %add3A_734, %broadcast_in_dim3A_736 : vector<16xi1>, vector<16xi32>
      %ge3A_738 = vector.broadcast %reduce_max3A_729 : f32 to vector<16xf32>
      %ge3A_739 = arith.cmpf oge, %select_n3A_704, %ge3A_738 : vector<16xf32>
      %add3A_740 = arith.constant 16 : i32
      %add3A_741 = vector.broadcast %add3A_740 : i32 to vector<16xi32>
      %add3A_742 = arith.addi %iota3A, %add3A_741 : vector<16xi32>
      %jit3A_743 = arith.constant 64 : i32
      %broadcast_in_dim3A_744 = vector.broadcast %jit3A_743 : i32 to vector<16xi32>
      %select_n3A_745 = arith.select %ge3A_739, %add3A_742, %broadcast_in_dim3A_744 : vector<16xi1>, vector<16xi32>
      %ge3A_746 = vector.broadcast %reduce_max3A_729 : f32 to vector<16xf32>
      %ge3A_747 = arith.cmpf oge, %select_n3A_713, %ge3A_746 : vector<16xf32>
      %add3A_748 = arith.constant 32 : i32
      %add3A_749 = vector.broadcast %add3A_748 : i32 to vector<16xi32>
      %add3A_750 = arith.addi %iota3A, %add3A_749 : vector<16xi32>
      %jit3A_751 = arith.constant 64 : i32
      %broadcast_in_dim3A_752 = vector.broadcast %jit3A_751 : i32 to vector<16xi32>
      %select_n3A_753 = arith.select %ge3A_747, %add3A_750, %broadcast_in_dim3A_752 : vector<16xi1>, vector<16xi32>
      %ge3A_754 = vector.broadcast %reduce_max3A_729 : f32 to vector<16xf32>
      %ge3A_755 = arith.cmpf oge, %select_n3A_722, %ge3A_754 : vector<16xf32>
      %add3A_756 = arith.constant 48 : i32
      %add3A_757 = vector.broadcast %add3A_756 : i32 to vector<16xi32>
      %add3A_758 = arith.addi %iota3A, %add3A_757 : vector<16xi32>
      %jit3A_759 = arith.constant 64 : i32
      %broadcast_in_dim3A_760 = vector.broadcast %jit3A_759 : i32 to vector<16xi32>
      %select_n3A_761 = arith.select %ge3A_755, %add3A_758, %broadcast_in_dim3A_760 : vector<16xi1>, vector<16xi32>
      %min3A_762 = arith.minsi %select_n3A_737, %select_n3A_745 : vector<16xi32>
      %min3A_763 = arith.minsi %select_n3A_753, %select_n3A_761 : vector<16xi32>
      %min3A_764 = arith.minsi %min3A_762, %min3A_763 : vector<16xi32>
      %reduce_min3A_765 = arith.constant true
      %reduce_min3A_766 = vector.broadcast %reduce_min3A_765 : i1 to vector<16xi1>
      %reduce_min3A_767 = arith.constant -2147483648 : i32
      %reduce_min3A_768 = vector.broadcast %reduce_min3A_767 : i32 to vector<16xi32>
      %reduce_min3A_769 = arith.xori %min3A_764, %reduce_min3A_768 : vector<16xi32>
      %reduce_min3A_770 = tpu.scan <min>, %reduce_min3A_769 masked %reduce_min3A_766 : vector<16xi32>, vector<16xi1> -> vector<16xi32>
      %reduce_min3A_771 = arith.xori %reduce_min3A_770, %reduce_min3A_768 : vector<16xi32>
      %reduce_min3A_772 = vector.extract %reduce_min3A_771[15] : i32 from vector<16xi32>
      %add3A_773 = arith.constant 0 : i32
      %add3A_774 = vector.broadcast %add3A_773 : i32 to vector<16xi32>
      %add3A_775 = arith.addi %iota3A, %add3A_774 : vector<16xi32>
      %eq3A_776 = vector.broadcast %reduce_min3A_772 : i32 to vector<16xi32>
      %eq3A_777 = arith.cmpi eq, %add3A_775, %eq3A_776 : vector<16xi32>
      %or3A_778 = arith.ori %or3A_692, %eq3A_777 : vector<16xi1>
      %jit3A_779 = arith.constant -3.000000e+38 : f32
      %broadcast_in_dim3A_780 = vector.broadcast %jit3A_779 : f32 to vector<16xf32>
      %select_n3A_781 = arith.select %eq3A_777, %broadcast_in_dim3A_780, %select_n3A_695 : vector<16xi1>, vector<16xf32>
      %add3A_782 = arith.constant 16 : i32
      %add3A_783 = vector.broadcast %add3A_782 : i32 to vector<16xi32>
      %add3A_784 = arith.addi %iota3A, %add3A_783 : vector<16xi32>
      %eq3A_785 = vector.broadcast %reduce_min3A_772 : i32 to vector<16xi32>
      %eq3A_786 = arith.cmpi eq, %add3A_784, %eq3A_785 : vector<16xi32>
      %or3A_787 = arith.ori %or3A_701, %eq3A_786 : vector<16xi1>
      %jit3A_788 = arith.constant -3.000000e+38 : f32
      %broadcast_in_dim3A_789 = vector.broadcast %jit3A_788 : f32 to vector<16xf32>
      %select_n3A_790 = arith.select %eq3A_786, %broadcast_in_dim3A_789, %select_n3A_704 : vector<16xi1>, vector<16xf32>
      %add3A_791 = arith.constant 32 : i32
      %add3A_792 = vector.broadcast %add3A_791 : i32 to vector<16xi32>
      %add3A_793 = arith.addi %iota3A, %add3A_792 : vector<16xi32>
      %eq3A_794 = vector.broadcast %reduce_min3A_772 : i32 to vector<16xi32>
      %eq3A_795 = arith.cmpi eq, %add3A_793, %eq3A_794 : vector<16xi32>
      %or3A_796 = arith.ori %or3A_710, %eq3A_795 : vector<16xi1>
      %jit3A_797 = arith.constant -3.000000e+38 : f32
      %broadcast_in_dim3A_798 = vector.broadcast %jit3A_797 : f32 to vector<16xf32>
      %select_n3A_799 = arith.select %eq3A_795, %broadcast_in_dim3A_798, %select_n3A_713 : vector<16xi1>, vector<16xf32>
      %add3A_800 = arith.constant 48 : i32
      %add3A_801 = vector.broadcast %add3A_800 : i32 to vector<16xi32>
      %add3A_802 = arith.addi %iota3A, %add3A_801 : vector<16xi32>
      %eq3A_803 = vector.broadcast %reduce_min3A_772 : i32 to vector<16xi32>
      %eq3A_804 = arith.cmpi eq, %add3A_802, %eq3A_803 : vector<16xi32>
      %or3A_805 = arith.ori %or3A_719, %eq3A_804 : vector<16xi1>
      %jit3A_806 = arith.constant -3.000000e+38 : f32
      %broadcast_in_dim3A_807 = vector.broadcast %jit3A_806 : f32 to vector<16xf32>
      %select_n3A_808 = arith.select %eq3A_804, %broadcast_in_dim3A_807, %select_n3A_722 : vector<16xi1>, vector<16xf32>
      %max3A_809 = arith.maximumf %select_n3A_781, %select_n3A_790 : vector<16xf32>
      %max3A_810 = arith.maximumf %select_n3A_799, %select_n3A_808 : vector<16xf32>
      %max3A_811 = arith.maximumf %max3A_809, %max3A_810 : vector<16xf32>
      %reduce_max3A_812 = arith.constant true
      %reduce_max3A_813 = vector.broadcast %reduce_max3A_812 : i1 to vector<16xi1>
      %reduce_max3A_814 = tpu.scan <max>, %max3A_811 masked %reduce_max3A_813 : vector<16xf32>, vector<16xi1> -> vector<16xf32>
      %reduce_max3A_815 = vector.extract %reduce_max3A_814[15] : f32 from vector<16xf32>
      %ge3A_816 = vector.broadcast %reduce_max3A_815 : f32 to vector<16xf32>
      %ge3A_817 = arith.cmpf oge, %select_n3A_781, %ge3A_816 : vector<16xf32>
      %add3A_818 = arith.constant 0 : i32
      %add3A_819 = vector.broadcast %add3A_818 : i32 to vector<16xi32>
      %add3A_820 = arith.addi %iota3A, %add3A_819 : vector<16xi32>
      %jit3A_821 = arith.constant 64 : i32
      %broadcast_in_dim3A_822 = vector.broadcast %jit3A_821 : i32 to vector<16xi32>
      %select_n3A_823 = arith.select %ge3A_817, %add3A_820, %broadcast_in_dim3A_822 : vector<16xi1>, vector<16xi32>
      %ge3A_824 = vector.broadcast %reduce_max3A_815 : f32 to vector<16xf32>
      %ge3A_825 = arith.cmpf oge, %select_n3A_790, %ge3A_824 : vector<16xf32>
      %add3A_826 = arith.constant 16 : i32
      %add3A_827 = vector.broadcast %add3A_826 : i32 to vector<16xi32>
      %add3A_828 = arith.addi %iota3A, %add3A_827 : vector<16xi32>
      %jit3A_829 = arith.constant 64 : i32
      %broadcast_in_dim3A_830 = vector.broadcast %jit3A_829 : i32 to vector<16xi32>
      %select_n3A_831 = arith.select %ge3A_825, %add3A_828, %broadcast_in_dim3A_830 : vector<16xi1>, vector<16xi32>
      %ge3A_832 = vector.broadcast %reduce_max3A_815 : f32 to vector<16xf32>
      %ge3A_833 = arith.cmpf oge, %select_n3A_799, %ge3A_832 : vector<16xf32>
      %add3A_834 = arith.constant 32 : i32
      %add3A_835 = vector.broadcast %add3A_834 : i32 to vector<16xi32>
      %add3A_836 = arith.addi %iota3A, %add3A_835 : vector<16xi32>
      %jit3A_837 = arith.constant 64 : i32
      %broadcast_in_dim3A_838 = vector.broadcast %jit3A_837 : i32 to vector<16xi32>
      %select_n3A_839 = arith.select %ge3A_833, %add3A_836, %broadcast_in_dim3A_838 : vector<16xi1>, vector<16xi32>
      %ge3A_840 = vector.broadcast %reduce_max3A_815 : f32 to vector<16xf32>
      %ge3A_841 = arith.cmpf oge, %select_n3A_808, %ge3A_840 : vector<16xf32>
      %add3A_842 = arith.constant 48 : i32
      %add3A_843 = vector.broadcast %add3A_842 : i32 to vector<16xi32>
      %add3A_844 = arith.addi %iota3A, %add3A_843 : vector<16xi32>
      %jit3A_845 = arith.constant 64 : i32
      %broadcast_in_dim3A_846 = vector.broadcast %jit3A_845 : i32 to vector<16xi32>
      %select_n3A_847 = arith.select %ge3A_841, %add3A_844, %broadcast_in_dim3A_846 : vector<16xi1>, vector<16xi32>
      %min3A_848 = arith.minsi %select_n3A_823, %select_n3A_831 : vector<16xi32>
      %min3A_849 = arith.minsi %select_n3A_839, %select_n3A_847 : vector<16xi32>
      %min3A_850 = arith.minsi %min3A_848, %min3A_849 : vector<16xi32>
      %reduce_min3A_851 = arith.constant true
      %reduce_min3A_852 = vector.broadcast %reduce_min3A_851 : i1 to vector<16xi1>
      %reduce_min3A_853 = arith.constant -2147483648 : i32
      %reduce_min3A_854 = vector.broadcast %reduce_min3A_853 : i32 to vector<16xi32>
      %reduce_min3A_855 = arith.xori %min3A_850, %reduce_min3A_854 : vector<16xi32>
      %reduce_min3A_856 = tpu.scan <min>, %reduce_min3A_855 masked %reduce_min3A_852 : vector<16xi32>, vector<16xi1> -> vector<16xi32>
      %reduce_min3A_857 = arith.xori %reduce_min3A_856, %reduce_min3A_854 : vector<16xi32>
      %reduce_min3A_858 = vector.extract %reduce_min3A_857[15] : i32 from vector<16xi32>
      %add3A_859 = arith.constant 0 : i32
      %add3A_860 = vector.broadcast %add3A_859 : i32 to vector<16xi32>
      %add3A_861 = arith.addi %iota3A, %add3A_860 : vector<16xi32>
      %eq3A_862 = vector.broadcast %reduce_min3A_858 : i32 to vector<16xi32>
      %eq3A_863 = arith.cmpi eq, %add3A_861, %eq3A_862 : vector<16xi32>
      %or3A_864 = arith.ori %or3A_778, %eq3A_863 : vector<16xi1>
      %jit3A_865 = arith.constant -3.000000e+38 : f32
      %broadcast_in_dim3A_866 = vector.broadcast %jit3A_865 : f32 to vector<16xf32>
      %select_n3A_867 = arith.select %eq3A_863, %broadcast_in_dim3A_866, %select_n3A_781 : vector<16xi1>, vector<16xf32>
      %add3A_868 = arith.constant 16 : i32
      %add3A_869 = vector.broadcast %add3A_868 : i32 to vector<16xi32>
      %add3A_870 = arith.addi %iota3A, %add3A_869 : vector<16xi32>
      %eq3A_871 = vector.broadcast %reduce_min3A_858 : i32 to vector<16xi32>
      %eq3A_872 = arith.cmpi eq, %add3A_870, %eq3A_871 : vector<16xi32>
      %or3A_873 = arith.ori %or3A_787, %eq3A_872 : vector<16xi1>
      %jit3A_874 = arith.constant -3.000000e+38 : f32
      %broadcast_in_dim3A_875 = vector.broadcast %jit3A_874 : f32 to vector<16xf32>
      %select_n3A_876 = arith.select %eq3A_872, %broadcast_in_dim3A_875, %select_n3A_790 : vector<16xi1>, vector<16xf32>
      %add3A_877 = arith.constant 32 : i32
      %add3A_878 = vector.broadcast %add3A_877 : i32 to vector<16xi32>
      %add3A_879 = arith.addi %iota3A, %add3A_878 : vector<16xi32>
      %eq3A_880 = vector.broadcast %reduce_min3A_858 : i32 to vector<16xi32>
      %eq3A_881 = arith.cmpi eq, %add3A_879, %eq3A_880 : vector<16xi32>
      %or3A_882 = arith.ori %or3A_796, %eq3A_881 : vector<16xi1>
      %jit3A_883 = arith.constant -3.000000e+38 : f32
      %broadcast_in_dim3A_884 = vector.broadcast %jit3A_883 : f32 to vector<16xf32>
      %select_n3A_885 = arith.select %eq3A_881, %broadcast_in_dim3A_884, %select_n3A_799 : vector<16xi1>, vector<16xf32>
      %add3A_886 = arith.constant 48 : i32
      %add3A_887 = vector.broadcast %add3A_886 : i32 to vector<16xi32>
      %add3A_888 = arith.addi %iota3A, %add3A_887 : vector<16xi32>
      %eq3A_889 = vector.broadcast %reduce_min3A_858 : i32 to vector<16xi32>
      %eq3A_890 = arith.cmpi eq, %add3A_888, %eq3A_889 : vector<16xi32>
      %or3A_891 = arith.ori %or3A_805, %eq3A_890 : vector<16xi1>
      %jit3A_892 = arith.constant -3.000000e+38 : f32
      %broadcast_in_dim3A_893 = vector.broadcast %jit3A_892 : f32 to vector<16xf32>
      %select_n3A_894 = arith.select %eq3A_890, %broadcast_in_dim3A_893, %select_n3A_808 : vector<16xi1>, vector<16xf32>
      %max3A_895 = arith.maximumf %select_n3A_867, %select_n3A_876 : vector<16xf32>
      %max3A_896 = arith.maximumf %select_n3A_885, %select_n3A_894 : vector<16xf32>
      %max3A_897 = arith.maximumf %max3A_895, %max3A_896 : vector<16xf32>
      %reduce_max3A_898 = arith.constant true
      %reduce_max3A_899 = vector.broadcast %reduce_max3A_898 : i1 to vector<16xi1>
      %reduce_max3A_900 = tpu.scan <max>, %max3A_897 masked %reduce_max3A_899 : vector<16xf32>, vector<16xi1> -> vector<16xf32>
      %reduce_max3A_901 = vector.extract %reduce_max3A_900[15] : f32 from vector<16xf32>
      %ge3A_902 = vector.broadcast %reduce_max3A_901 : f32 to vector<16xf32>
      %ge3A_903 = arith.cmpf oge, %select_n3A_867, %ge3A_902 : vector<16xf32>
      %add3A_904 = arith.constant 0 : i32
      %add3A_905 = vector.broadcast %add3A_904 : i32 to vector<16xi32>
      %add3A_906 = arith.addi %iota3A, %add3A_905 : vector<16xi32>
      %jit3A_907 = arith.constant 64 : i32
      %broadcast_in_dim3A_908 = vector.broadcast %jit3A_907 : i32 to vector<16xi32>
      %select_n3A_909 = arith.select %ge3A_903, %add3A_906, %broadcast_in_dim3A_908 : vector<16xi1>, vector<16xi32>
      %ge3A_910 = vector.broadcast %reduce_max3A_901 : f32 to vector<16xf32>
      %ge3A_911 = arith.cmpf oge, %select_n3A_876, %ge3A_910 : vector<16xf32>
      %add3A_912 = arith.constant 16 : i32
      %add3A_913 = vector.broadcast %add3A_912 : i32 to vector<16xi32>
      %add3A_914 = arith.addi %iota3A, %add3A_913 : vector<16xi32>
      %jit3A_915 = arith.constant 64 : i32
      %broadcast_in_dim3A_916 = vector.broadcast %jit3A_915 : i32 to vector<16xi32>
      %select_n3A_917 = arith.select %ge3A_911, %add3A_914, %broadcast_in_dim3A_916 : vector<16xi1>, vector<16xi32>
      %ge3A_918 = vector.broadcast %reduce_max3A_901 : f32 to vector<16xf32>
      %ge3A_919 = arith.cmpf oge, %select_n3A_885, %ge3A_918 : vector<16xf32>
      %add3A_920 = arith.constant 32 : i32
      %add3A_921 = vector.broadcast %add3A_920 : i32 to vector<16xi32>
      %add3A_922 = arith.addi %iota3A, %add3A_921 : vector<16xi32>
      %jit3A_923 = arith.constant 64 : i32
      %broadcast_in_dim3A_924 = vector.broadcast %jit3A_923 : i32 to vector<16xi32>
      %select_n3A_925 = arith.select %ge3A_919, %add3A_922, %broadcast_in_dim3A_924 : vector<16xi1>, vector<16xi32>
      %ge3A_926 = vector.broadcast %reduce_max3A_901 : f32 to vector<16xf32>
      %ge3A_927 = arith.cmpf oge, %select_n3A_894, %ge3A_926 : vector<16xf32>
      %add3A_928 = arith.constant 48 : i32
      %add3A_929 = vector.broadcast %add3A_928 : i32 to vector<16xi32>
      %add3A_930 = arith.addi %iota3A, %add3A_929 : vector<16xi32>
      %jit3A_931 = arith.constant 64 : i32
      %broadcast_in_dim3A_932 = vector.broadcast %jit3A_931 : i32 to vector<16xi32>
      %select_n3A_933 = arith.select %ge3A_927, %add3A_930, %broadcast_in_dim3A_932 : vector<16xi1>, vector<16xi32>
      %min3A_934 = arith.minsi %select_n3A_909, %select_n3A_917 : vector<16xi32>
      %min3A_935 = arith.minsi %select_n3A_925, %select_n3A_933 : vector<16xi32>
      %min3A_936 = arith.minsi %min3A_934, %min3A_935 : vector<16xi32>
      %reduce_min3A_937 = arith.constant true
      %reduce_min3A_938 = vector.broadcast %reduce_min3A_937 : i1 to vector<16xi1>
      %reduce_min3A_939 = arith.constant -2147483648 : i32
      %reduce_min3A_940 = vector.broadcast %reduce_min3A_939 : i32 to vector<16xi32>
      %reduce_min3A_941 = arith.xori %min3A_936, %reduce_min3A_940 : vector<16xi32>
      %reduce_min3A_942 = tpu.scan <min>, %reduce_min3A_941 masked %reduce_min3A_938 : vector<16xi32>, vector<16xi1> -> vector<16xi32>
      %reduce_min3A_943 = arith.xori %reduce_min3A_942, %reduce_min3A_940 : vector<16xi32>
      %reduce_min3A_944 = vector.extract %reduce_min3A_943[15] : i32 from vector<16xi32>
      %add3A_945 = arith.constant 0 : i32
      %add3A_946 = vector.broadcast %add3A_945 : i32 to vector<16xi32>
      %add3A_947 = arith.addi %iota3A, %add3A_946 : vector<16xi32>
      %eq3A_948 = vector.broadcast %reduce_min3A_944 : i32 to vector<16xi32>
      %eq3A_949 = arith.cmpi eq, %add3A_947, %eq3A_948 : vector<16xi32>
      %or3A_950 = arith.ori %or3A_864, %eq3A_949 : vector<16xi1>
      %jit3A_951 = arith.constant -3.000000e+38 : f32
      %broadcast_in_dim3A_952 = vector.broadcast %jit3A_951 : f32 to vector<16xf32>
      %select_n3A_953 = arith.select %eq3A_949, %broadcast_in_dim3A_952, %select_n3A_867 : vector<16xi1>, vector<16xf32>
      %add3A_954 = arith.constant 16 : i32
      %add3A_955 = vector.broadcast %add3A_954 : i32 to vector<16xi32>
      %add3A_956 = arith.addi %iota3A, %add3A_955 : vector<16xi32>
      %eq3A_957 = vector.broadcast %reduce_min3A_944 : i32 to vector<16xi32>
      %eq3A_958 = arith.cmpi eq, %add3A_956, %eq3A_957 : vector<16xi32>
      %or3A_959 = arith.ori %or3A_873, %eq3A_958 : vector<16xi1>
      %jit3A_960 = arith.constant -3.000000e+38 : f32
      %broadcast_in_dim3A_961 = vector.broadcast %jit3A_960 : f32 to vector<16xf32>
      %select_n3A_962 = arith.select %eq3A_958, %broadcast_in_dim3A_961, %select_n3A_876 : vector<16xi1>, vector<16xf32>
      %add3A_963 = arith.constant 32 : i32
      %add3A_964 = vector.broadcast %add3A_963 : i32 to vector<16xi32>
      %add3A_965 = arith.addi %iota3A, %add3A_964 : vector<16xi32>
      %eq3A_966 = vector.broadcast %reduce_min3A_944 : i32 to vector<16xi32>
      %eq3A_967 = arith.cmpi eq, %add3A_965, %eq3A_966 : vector<16xi32>
      %or3A_968 = arith.ori %or3A_882, %eq3A_967 : vector<16xi1>
      %jit3A_969 = arith.constant -3.000000e+38 : f32
      %broadcast_in_dim3A_970 = vector.broadcast %jit3A_969 : f32 to vector<16xf32>
      %select_n3A_971 = arith.select %eq3A_967, %broadcast_in_dim3A_970, %select_n3A_885 : vector<16xi1>, vector<16xf32>
      %add3A_972 = arith.constant 48 : i32
      %add3A_973 = vector.broadcast %add3A_972 : i32 to vector<16xi32>
      %add3A_974 = arith.addi %iota3A, %add3A_973 : vector<16xi32>
      %eq3A_975 = vector.broadcast %reduce_min3A_944 : i32 to vector<16xi32>
      %eq3A_976 = arith.cmpi eq, %add3A_974, %eq3A_975 : vector<16xi32>
      %or3A_977 = arith.ori %or3A_891, %eq3A_976 : vector<16xi1>
      %jit3A_978 = arith.constant -3.000000e+38 : f32
      %broadcast_in_dim3A_979 = vector.broadcast %jit3A_978 : f32 to vector<16xf32>
      %select_n3A_980 = arith.select %eq3A_976, %broadcast_in_dim3A_979, %select_n3A_894 : vector<16xi1>, vector<16xf32>
      %max3A_981 = arith.maximumf %select_n3A_953, %select_n3A_962 : vector<16xf32>
      %max3A_982 = arith.maximumf %select_n3A_971, %select_n3A_980 : vector<16xf32>
      %max3A_983 = arith.maximumf %max3A_981, %max3A_982 : vector<16xf32>
      %reduce_max3A_984 = arith.constant true
      %reduce_max3A_985 = vector.broadcast %reduce_max3A_984 : i1 to vector<16xi1>
      %reduce_max3A_986 = tpu.scan <max>, %max3A_983 masked %reduce_max3A_985 : vector<16xf32>, vector<16xi1> -> vector<16xf32>
      %reduce_max3A_987 = vector.extract %reduce_max3A_986[15] : f32 from vector<16xf32>
      %ge3A_988 = vector.broadcast %reduce_max3A_987 : f32 to vector<16xf32>
      %ge3A_989 = arith.cmpf oge, %select_n3A_953, %ge3A_988 : vector<16xf32>
      %add3A_990 = arith.constant 0 : i32
      %add3A_991 = vector.broadcast %add3A_990 : i32 to vector<16xi32>
      %add3A_992 = arith.addi %iota3A, %add3A_991 : vector<16xi32>
      %jit3A_993 = arith.constant 64 : i32
      %broadcast_in_dim3A_994 = vector.broadcast %jit3A_993 : i32 to vector<16xi32>
      %select_n3A_995 = arith.select %ge3A_989, %add3A_992, %broadcast_in_dim3A_994 : vector<16xi1>, vector<16xi32>
      %ge3A_996 = vector.broadcast %reduce_max3A_987 : f32 to vector<16xf32>
      %ge3A_997 = arith.cmpf oge, %select_n3A_962, %ge3A_996 : vector<16xf32>
      %add3A_998 = arith.constant 16 : i32
      %add3A_999 = vector.broadcast %add3A_998 : i32 to vector<16xi32>
      %add3A_1000 = arith.addi %iota3A, %add3A_999 : vector<16xi32>
      %jit3A_1001 = arith.constant 64 : i32
      %broadcast_in_dim3A_1002 = vector.broadcast %jit3A_1001 : i32 to vector<16xi32>
      %select_n3A_1003 = arith.select %ge3A_997, %add3A_1000, %broadcast_in_dim3A_1002 : vector<16xi1>, vector<16xi32>
      %ge3A_1004 = vector.broadcast %reduce_max3A_987 : f32 to vector<16xf32>
      %ge3A_1005 = arith.cmpf oge, %select_n3A_971, %ge3A_1004 : vector<16xf32>
      %add3A_1006 = arith.constant 32 : i32
      %add3A_1007 = vector.broadcast %add3A_1006 : i32 to vector<16xi32>
      %add3A_1008 = arith.addi %iota3A, %add3A_1007 : vector<16xi32>
      %jit3A_1009 = arith.constant 64 : i32
      %broadcast_in_dim3A_1010 = vector.broadcast %jit3A_1009 : i32 to vector<16xi32>
      %select_n3A_1011 = arith.select %ge3A_1005, %add3A_1008, %broadcast_in_dim3A_1010 : vector<16xi1>, vector<16xi32>
      %ge3A_1012 = vector.broadcast %reduce_max3A_987 : f32 to vector<16xf32>
      %ge3A_1013 = arith.cmpf oge, %select_n3A_980, %ge3A_1012 : vector<16xf32>
      %add3A_1014 = arith.constant 48 : i32
      %add3A_1015 = vector.broadcast %add3A_1014 : i32 to vector<16xi32>
      %add3A_1016 = arith.addi %iota3A, %add3A_1015 : vector<16xi32>
      %jit3A_1017 = arith.constant 64 : i32
      %broadcast_in_dim3A_1018 = vector.broadcast %jit3A_1017 : i32 to vector<16xi32>
      %select_n3A_1019 = arith.select %ge3A_1013, %add3A_1016, %broadcast_in_dim3A_1018 : vector<16xi1>, vector<16xi32>
      %min3A_1020 = arith.minsi %select_n3A_995, %select_n3A_1003 : vector<16xi32>
      %min3A_1021 = arith.minsi %select_n3A_1011, %select_n3A_1019 : vector<16xi32>
      %min3A_1022 = arith.minsi %min3A_1020, %min3A_1021 : vector<16xi32>
      %reduce_min3A_1023 = arith.constant true
      %reduce_min3A_1024 = vector.broadcast %reduce_min3A_1023 : i1 to vector<16xi1>
      %reduce_min3A_1025 = arith.constant -2147483648 : i32
      %reduce_min3A_1026 = vector.broadcast %reduce_min3A_1025 : i32 to vector<16xi32>
      %reduce_min3A_1027 = arith.xori %min3A_1022, %reduce_min3A_1026 : vector<16xi32>
      %reduce_min3A_1028 = tpu.scan <min>, %reduce_min3A_1027 masked %reduce_min3A_1024 : vector<16xi32>, vector<16xi1> -> vector<16xi32>
      %reduce_min3A_1029 = arith.xori %reduce_min3A_1028, %reduce_min3A_1026 : vector<16xi32>
      %reduce_min3A_1030 = vector.extract %reduce_min3A_1029[15] : i32 from vector<16xi32>
      %add3A_1031 = arith.constant 0 : i32
      %add3A_1032 = vector.broadcast %add3A_1031 : i32 to vector<16xi32>
      %add3A_1033 = arith.addi %iota3A, %add3A_1032 : vector<16xi32>
      %eq3A_1034 = vector.broadcast %reduce_min3A_1030 : i32 to vector<16xi32>
      %eq3A_1035 = arith.cmpi eq, %add3A_1033, %eq3A_1034 : vector<16xi32>
      %or3A_1036 = arith.ori %or3A_950, %eq3A_1035 : vector<16xi1>
      %jit3A_1037 = arith.constant -3.000000e+38 : f32
      %broadcast_in_dim3A_1038 = vector.broadcast %jit3A_1037 : f32 to vector<16xf32>
      %select_n3A_1039 = arith.select %eq3A_1035, %broadcast_in_dim3A_1038, %select_n3A_953 : vector<16xi1>, vector<16xf32>
      %add3A_1040 = arith.constant 16 : i32
      %add3A_1041 = vector.broadcast %add3A_1040 : i32 to vector<16xi32>
      %add3A_1042 = arith.addi %iota3A, %add3A_1041 : vector<16xi32>
      %eq3A_1043 = vector.broadcast %reduce_min3A_1030 : i32 to vector<16xi32>
      %eq3A_1044 = arith.cmpi eq, %add3A_1042, %eq3A_1043 : vector<16xi32>
      %or3A_1045 = arith.ori %or3A_959, %eq3A_1044 : vector<16xi1>
      %jit3A_1046 = arith.constant -3.000000e+38 : f32
      %broadcast_in_dim3A_1047 = vector.broadcast %jit3A_1046 : f32 to vector<16xf32>
      %select_n3A_1048 = arith.select %eq3A_1044, %broadcast_in_dim3A_1047, %select_n3A_962 : vector<16xi1>, vector<16xf32>
      %add3A_1049 = arith.constant 32 : i32
      %add3A_1050 = vector.broadcast %add3A_1049 : i32 to vector<16xi32>
      %add3A_1051 = arith.addi %iota3A, %add3A_1050 : vector<16xi32>
      %eq3A_1052 = vector.broadcast %reduce_min3A_1030 : i32 to vector<16xi32>
      %eq3A_1053 = arith.cmpi eq, %add3A_1051, %eq3A_1052 : vector<16xi32>
      %or3A_1054 = arith.ori %or3A_968, %eq3A_1053 : vector<16xi1>
      %jit3A_1055 = arith.constant -3.000000e+38 : f32
      %broadcast_in_dim3A_1056 = vector.broadcast %jit3A_1055 : f32 to vector<16xf32>
      %select_n3A_1057 = arith.select %eq3A_1053, %broadcast_in_dim3A_1056, %select_n3A_971 : vector<16xi1>, vector<16xf32>
      %add3A_1058 = arith.constant 48 : i32
      %add3A_1059 = vector.broadcast %add3A_1058 : i32 to vector<16xi32>
      %add3A_1060 = arith.addi %iota3A, %add3A_1059 : vector<16xi32>
      %eq3A_1061 = vector.broadcast %reduce_min3A_1030 : i32 to vector<16xi32>
      %eq3A_1062 = arith.cmpi eq, %add3A_1060, %eq3A_1061 : vector<16xi32>
      %or3A_1063 = arith.ori %or3A_977, %eq3A_1062 : vector<16xi1>
      %jit3A_1064 = arith.constant -3.000000e+38 : f32
      %broadcast_in_dim3A_1065 = vector.broadcast %jit3A_1064 : f32 to vector<16xf32>
      %select_n3A_1066 = arith.select %eq3A_1062, %broadcast_in_dim3A_1065, %select_n3A_980 : vector<16xi1>, vector<16xf32>
      %max3A_1067 = arith.maximumf %select_n3A_1039, %select_n3A_1048 : vector<16xf32>
      %max3A_1068 = arith.maximumf %select_n3A_1057, %select_n3A_1066 : vector<16xf32>
      %max3A_1069 = arith.maximumf %max3A_1067, %max3A_1068 : vector<16xf32>
      %reduce_max3A_1070 = arith.constant true
      %reduce_max3A_1071 = vector.broadcast %reduce_max3A_1070 : i1 to vector<16xi1>
      %reduce_max3A_1072 = tpu.scan <max>, %max3A_1069 masked %reduce_max3A_1071 : vector<16xf32>, vector<16xi1> -> vector<16xf32>
      %reduce_max3A_1073 = vector.extract %reduce_max3A_1072[15] : f32 from vector<16xf32>
      %ge3A_1074 = vector.broadcast %reduce_max3A_1073 : f32 to vector<16xf32>
      %ge3A_1075 = arith.cmpf oge, %select_n3A_1039, %ge3A_1074 : vector<16xf32>
      %add3A_1076 = arith.constant 0 : i32
      %add3A_1077 = vector.broadcast %add3A_1076 : i32 to vector<16xi32>
      %add3A_1078 = arith.addi %iota3A, %add3A_1077 : vector<16xi32>
      %jit3A_1079 = arith.constant 64 : i32
      %broadcast_in_dim3A_1080 = vector.broadcast %jit3A_1079 : i32 to vector<16xi32>
      %select_n3A_1081 = arith.select %ge3A_1075, %add3A_1078, %broadcast_in_dim3A_1080 : vector<16xi1>, vector<16xi32>
      %ge3A_1082 = vector.broadcast %reduce_max3A_1073 : f32 to vector<16xf32>
      %ge3A_1083 = arith.cmpf oge, %select_n3A_1048, %ge3A_1082 : vector<16xf32>
      %add3A_1084 = arith.constant 16 : i32
      %add3A_1085 = vector.broadcast %add3A_1084 : i32 to vector<16xi32>
      %add3A_1086 = arith.addi %iota3A, %add3A_1085 : vector<16xi32>
      %jit3A_1087 = arith.constant 64 : i32
      %broadcast_in_dim3A_1088 = vector.broadcast %jit3A_1087 : i32 to vector<16xi32>
      %select_n3A_1089 = arith.select %ge3A_1083, %add3A_1086, %broadcast_in_dim3A_1088 : vector<16xi1>, vector<16xi32>
      %ge3A_1090 = vector.broadcast %reduce_max3A_1073 : f32 to vector<16xf32>
      %ge3A_1091 = arith.cmpf oge, %select_n3A_1057, %ge3A_1090 : vector<16xf32>
      %add3A_1092 = arith.constant 32 : i32
      %add3A_1093 = vector.broadcast %add3A_1092 : i32 to vector<16xi32>
      %add3A_1094 = arith.addi %iota3A, %add3A_1093 : vector<16xi32>
      %jit3A_1095 = arith.constant 64 : i32
      %broadcast_in_dim3A_1096 = vector.broadcast %jit3A_1095 : i32 to vector<16xi32>
      %select_n3A_1097 = arith.select %ge3A_1091, %add3A_1094, %broadcast_in_dim3A_1096 : vector<16xi1>, vector<16xi32>
      %ge3A_1098 = vector.broadcast %reduce_max3A_1073 : f32 to vector<16xf32>
      %ge3A_1099 = arith.cmpf oge, %select_n3A_1066, %ge3A_1098 : vector<16xf32>
      %add3A_1100 = arith.constant 48 : i32
      %add3A_1101 = vector.broadcast %add3A_1100 : i32 to vector<16xi32>
      %add3A_1102 = arith.addi %iota3A, %add3A_1101 : vector<16xi32>
      %jit3A_1103 = arith.constant 64 : i32
      %broadcast_in_dim3A_1104 = vector.broadcast %jit3A_1103 : i32 to vector<16xi32>
      %select_n3A_1105 = arith.select %ge3A_1099, %add3A_1102, %broadcast_in_dim3A_1104 : vector<16xi1>, vector<16xi32>
      %min3A_1106 = arith.minsi %select_n3A_1081, %select_n3A_1089 : vector<16xi32>
      %min3A_1107 = arith.minsi %select_n3A_1097, %select_n3A_1105 : vector<16xi32>
      %min3A_1108 = arith.minsi %min3A_1106, %min3A_1107 : vector<16xi32>
      %reduce_min3A_1109 = arith.constant true
      %reduce_min3A_1110 = vector.broadcast %reduce_min3A_1109 : i1 to vector<16xi1>
      %reduce_min3A_1111 = arith.constant -2147483648 : i32
      %reduce_min3A_1112 = vector.broadcast %reduce_min3A_1111 : i32 to vector<16xi32>
      %reduce_min3A_1113 = arith.xori %min3A_1108, %reduce_min3A_1112 : vector<16xi32>
      %reduce_min3A_1114 = tpu.scan <min>, %reduce_min3A_1113 masked %reduce_min3A_1110 : vector<16xi32>, vector<16xi1> -> vector<16xi32>
      %reduce_min3A_1115 = arith.xori %reduce_min3A_1114, %reduce_min3A_1112 : vector<16xi32>
      %reduce_min3A_1116 = vector.extract %reduce_min3A_1115[15] : i32 from vector<16xi32>
      %add3A_1117 = arith.constant 0 : i32
      %add3A_1118 = vector.broadcast %add3A_1117 : i32 to vector<16xi32>
      %add3A_1119 = arith.addi %iota3A, %add3A_1118 : vector<16xi32>
      %eq3A_1120 = vector.broadcast %reduce_min3A_1116 : i32 to vector<16xi32>
      %eq3A_1121 = arith.cmpi eq, %add3A_1119, %eq3A_1120 : vector<16xi32>
      %or3A_1122 = arith.ori %or3A_1036, %eq3A_1121 : vector<16xi1>
      %jit3A_1123 = arith.constant -3.000000e+38 : f32
      %broadcast_in_dim3A_1124 = vector.broadcast %jit3A_1123 : f32 to vector<16xf32>
      %select_n3A_1125 = arith.select %eq3A_1121, %broadcast_in_dim3A_1124, %select_n3A_1039 : vector<16xi1>, vector<16xf32>
      %add3A_1126 = arith.constant 16 : i32
      %add3A_1127 = vector.broadcast %add3A_1126 : i32 to vector<16xi32>
      %add3A_1128 = arith.addi %iota3A, %add3A_1127 : vector<16xi32>
      %eq3A_1129 = vector.broadcast %reduce_min3A_1116 : i32 to vector<16xi32>
      %eq3A_1130 = arith.cmpi eq, %add3A_1128, %eq3A_1129 : vector<16xi32>
      %or3A_1131 = arith.ori %or3A_1045, %eq3A_1130 : vector<16xi1>
      %jit3A_1132 = arith.constant -3.000000e+38 : f32
      %broadcast_in_dim3A_1133 = vector.broadcast %jit3A_1132 : f32 to vector<16xf32>
      %select_n3A_1134 = arith.select %eq3A_1130, %broadcast_in_dim3A_1133, %select_n3A_1048 : vector<16xi1>, vector<16xf32>
      %add3A_1135 = arith.constant 32 : i32
      %add3A_1136 = vector.broadcast %add3A_1135 : i32 to vector<16xi32>
      %add3A_1137 = arith.addi %iota3A, %add3A_1136 : vector<16xi32>
      %eq3A_1138 = vector.broadcast %reduce_min3A_1116 : i32 to vector<16xi32>
      %eq3A_1139 = arith.cmpi eq, %add3A_1137, %eq3A_1138 : vector<16xi32>
      %or3A_1140 = arith.ori %or3A_1054, %eq3A_1139 : vector<16xi1>
      %jit3A_1141 = arith.constant -3.000000e+38 : f32
      %broadcast_in_dim3A_1142 = vector.broadcast %jit3A_1141 : f32 to vector<16xf32>
      %select_n3A_1143 = arith.select %eq3A_1139, %broadcast_in_dim3A_1142, %select_n3A_1057 : vector<16xi1>, vector<16xf32>
      %add3A_1144 = arith.constant 48 : i32
      %add3A_1145 = vector.broadcast %add3A_1144 : i32 to vector<16xi32>
      %add3A_1146 = arith.addi %iota3A, %add3A_1145 : vector<16xi32>
      %eq3A_1147 = vector.broadcast %reduce_min3A_1116 : i32 to vector<16xi32>
      %eq3A_1148 = arith.cmpi eq, %add3A_1146, %eq3A_1147 : vector<16xi32>
      %or3A_1149 = arith.ori %or3A_1063, %eq3A_1148 : vector<16xi1>
      %jit3A_1150 = arith.constant -3.000000e+38 : f32
      %broadcast_in_dim3A_1151 = vector.broadcast %jit3A_1150 : f32 to vector<16xf32>
      %select_n3A_1152 = arith.select %eq3A_1148, %broadcast_in_dim3A_1151, %select_n3A_1066 : vector<16xi1>, vector<16xf32>
      %convert_element_type3A_1153 = arith.extui %or3A_1122 : vector<16xi1> to vector<16xi32>
      %broadcast_in_dim3A_1154 = arith.constant true
      %broadcast_in_dim3A_1155 = vector.broadcast %broadcast_in_dim3A_1154 : i1 to vector<16xi1>
      %masked_cumsum3A = tpu.scan <sum>, %convert_element_type3A_1153 masked %broadcast_in_dim3A_1155 : vector<16xi32>, vector<16xi1> -> vector<16xi32>
      %sub3A_1156 = arith.subi %masked_cumsum3A, %convert_element_type3A_1153 : vector<16xi32>
      %add3A_1157 = arith.constant 0 : i32
      %add3A_1158 = vector.broadcast %add3A_1157 : i32 to vector<16xi32>
      %add3A_1159 = arith.addi %sub3A_1156, %add3A_1158 : vector<16xi32>
      %mul3A_1160 = arith.constant 64 : i32
      %mul3A_1161 = arith.muli %mul3A_1160, %add3A : i32
      %add3A_1162 = arith.constant 0 : i32
      %add3A_1163 = arith.addi %add3A_1162, %mul3A_1161 : i32
      %add3A_1164 = vector.broadcast %add3A_1163 : i32 to vector<16xi32>
      %add3A_1165 = arith.addi %iota3A, %add3A_1164 : vector<16xi32>
      tpu.vector_store_idx %arg10[%add3A_1159], %add3A_1165 masked %or3A_1122 : memref<8xi32, #tpu.memory_space<vmem>>[vector<16xi32>], vector<16xi32>, vector<16xi1>
      %reduce_sum3A_1166 = arith.constant true
      %reduce_sum3A_1167 = vector.broadcast %reduce_sum3A_1166 : i1 to vector<16xi1>
      %reduce_sum3A_1168 = tpu.scan <sum>, %convert_element_type3A_1153 masked %reduce_sum3A_1167 : vector<16xi32>, vector<16xi1> -> vector<16xi32>
      %reduce_sum3A_1169 = vector.extract %reduce_sum3A_1168[15] : i32 from vector<16xi32>
      %add3A_1170 = arith.constant 0 : i32
      %add3A_1171 = arith.addi %add3A_1170, %reduce_sum3A_1169 : i32
      %convert_element_type3A_1172 = arith.extui %or3A_1131 : vector<16xi1> to vector<16xi32>
      %broadcast_in_dim3A_1173 = arith.constant true
      %broadcast_in_dim3A_1174 = vector.broadcast %broadcast_in_dim3A_1173 : i1 to vector<16xi1>
      %masked_cumsum3A_1175 = tpu.scan <sum>, %convert_element_type3A_1172 masked %broadcast_in_dim3A_1174 : vector<16xi32>, vector<16xi1> -> vector<16xi32>
      %sub3A_1176 = arith.subi %masked_cumsum3A_1175, %convert_element_type3A_1172 : vector<16xi32>
      %add3A_1177 = vector.broadcast %add3A_1171 : i32 to vector<16xi32>
      %add3A_1178 = arith.addi %sub3A_1176, %add3A_1177 : vector<16xi32>
      %mul3A_1179 = arith.constant 64 : i32
      %mul3A_1180 = arith.muli %mul3A_1179, %add3A : i32
      %add3A_1181 = arith.constant 16 : i32
      %add3A_1182 = arith.addi %add3A_1181, %mul3A_1180 : i32
      %add3A_1183 = vector.broadcast %add3A_1182 : i32 to vector<16xi32>
      %add3A_1184 = arith.addi %iota3A, %add3A_1183 : vector<16xi32>
      tpu.vector_store_idx %arg10[%add3A_1178], %add3A_1184 masked %or3A_1131 : memref<8xi32, #tpu.memory_space<vmem>>[vector<16xi32>], vector<16xi32>, vector<16xi1>
      %reduce_sum3A_1185 = arith.constant true
      %reduce_sum3A_1186 = vector.broadcast %reduce_sum3A_1185 : i1 to vector<16xi1>
      %reduce_sum3A_1187 = tpu.scan <sum>, %convert_element_type3A_1172 masked %reduce_sum3A_1186 : vector<16xi32>, vector<16xi1> -> vector<16xi32>
      %reduce_sum3A_1188 = vector.extract %reduce_sum3A_1187[15] : i32 from vector<16xi32>
      %add3A_1189 = arith.addi %add3A_1171, %reduce_sum3A_1188 : i32
      %convert_element_type3A_1190 = arith.extui %or3A_1140 : vector<16xi1> to vector<16xi32>
      %broadcast_in_dim3A_1191 = arith.constant true
      %broadcast_in_dim3A_1192 = vector.broadcast %broadcast_in_dim3A_1191 : i1 to vector<16xi1>
      %masked_cumsum3A_1193 = tpu.scan <sum>, %convert_element_type3A_1190 masked %broadcast_in_dim3A_1192 : vector<16xi32>, vector<16xi1> -> vector<16xi32>
      %sub3A_1194 = arith.subi %masked_cumsum3A_1193, %convert_element_type3A_1190 : vector<16xi32>
      %add3A_1195 = vector.broadcast %add3A_1189 : i32 to vector<16xi32>
      %add3A_1196 = arith.addi %sub3A_1194, %add3A_1195 : vector<16xi32>
      %mul3A_1197 = arith.constant 64 : i32
      %mul3A_1198 = arith.muli %mul3A_1197, %add3A : i32
      %add3A_1199 = arith.constant 32 : i32
      %add3A_1200 = arith.addi %add3A_1199, %mul3A_1198 : i32
      %add3A_1201 = vector.broadcast %add3A_1200 : i32 to vector<16xi32>
      %add3A_1202 = arith.addi %iota3A, %add3A_1201 : vector<16xi32>
      tpu.vector_store_idx %arg10[%add3A_1196], %add3A_1202 masked %or3A_1140 : memref<8xi32, #tpu.memory_space<vmem>>[vector<16xi32>], vector<16xi32>, vector<16xi1>
      %reduce_sum3A_1203 = arith.constant true
      %reduce_sum3A_1204 = vector.broadcast %reduce_sum3A_1203 : i1 to vector<16xi1>
      %reduce_sum3A_1205 = tpu.scan <sum>, %convert_element_type3A_1190 masked %reduce_sum3A_1204 : vector<16xi32>, vector<16xi1> -> vector<16xi32>
      %reduce_sum3A_1206 = vector.extract %reduce_sum3A_1205[15] : i32 from vector<16xi32>
      %add3A_1207 = arith.addi %add3A_1189, %reduce_sum3A_1206 : i32
      %convert_element_type3A_1208 = arith.extui %or3A_1149 : vector<16xi1> to vector<16xi32>
      %broadcast_in_dim3A_1209 = arith.constant true
      %broadcast_in_dim3A_1210 = vector.broadcast %broadcast_in_dim3A_1209 : i1 to vector<16xi1>
      %masked_cumsum3A_1211 = tpu.scan <sum>, %convert_element_type3A_1208 masked %broadcast_in_dim3A_1210 : vector<16xi32>, vector<16xi1> -> vector<16xi32>
      %sub3A_1212 = arith.subi %masked_cumsum3A_1211, %convert_element_type3A_1208 : vector<16xi32>
      %add3A_1213 = vector.broadcast %add3A_1207 : i32 to vector<16xi32>
      %add3A_1214 = arith.addi %sub3A_1212, %add3A_1213 : vector<16xi32>
      %mul3A_1215 = arith.constant 64 : i32
      %mul3A_1216 = arith.muli %mul3A_1215, %add3A : i32
      %add3A_1217 = arith.constant 48 : i32
      %add3A_1218 = arith.addi %add3A_1217, %mul3A_1216 : i32
      %add3A_1219 = vector.broadcast %add3A_1218 : i32 to vector<16xi32>
      %add3A_1220 = arith.addi %iota3A, %add3A_1219 : vector<16xi32>
      tpu.vector_store_idx %arg10[%add3A_1214], %add3A_1220 masked %or3A_1149 : memref<8xi32, #tpu.memory_space<vmem>>[vector<16xi32>], vector<16xi32>, vector<16xi1>
      %reduce_sum3A_1221 = arith.constant true
      %reduce_sum3A_1222 = vector.broadcast %reduce_sum3A_1221 : i1 to vector<16xi1>
      %reduce_sum3A_1223 = tpu.scan <sum>, %convert_element_type3A_1208 masked %reduce_sum3A_1222 : vector<16xi32>, vector<16xi1> -> vector<16xi32>
      %reduce_sum3A_1224 = vector.extract %reduce_sum3A_1223[15] : i32 from vector<16xi32>
      %add3A_1225 = arith.addi %add3A_1207, %reduce_sum3A_1224 : i32
      %dma_start3A = arith.constant 0 : i32
      %dma_start3A_1226 = arith.constant 0 : i32
      %dma_start3A_1227 = tpu.memref_slice %arg2[%dma_start3A, %dma_start3A_1226] : memref<256x1024xf32, #tpu.memory_space<hbm>> -> memref<256x1024xf32, #tpu.memory_space<hbm>>
      tpu.enqueue_indirect_dma source(%dma_start3A_1227 : memref<256x1024xf32, #tpu.memory_space<hbm>>) target(%arg11 : memref<8x1024xf32, #tpu.memory_space<vmem>>) offsets(%arg10 : memref<8xi32, #tpu.memory_space<vmem>>) semaphore(%arg13 : memref<!tpu.dma_semaphore, #tpu.memory_space<semaphore_mem>>)
      %dma_start3A_1228 = arith.constant 0 : i32
      %dma_start3A_1229 = arith.constant 0 : i32
      %dma_start3A_1230 = tpu.memref_slice %arg3[%dma_start3A_1228, %dma_start3A_1229] : memref<256x1024xf32, #tpu.memory_space<hbm>> -> memref<256x1024xf32, #tpu.memory_space<hbm>>
      tpu.enqueue_indirect_dma source(%dma_start3A_1230 : memref<256x1024xf32, #tpu.memory_space<hbm>>) target(%arg12 : memref<8x1024xf32, #tpu.memory_space<vmem>>) offsets(%arg10 : memref<8xi32, #tpu.memory_space<vmem>>) semaphore(%arg14 : memref<!tpu.dma_semaphore, #tpu.memory_space<semaphore_mem>>)
      %dma_wait3A = arith.constant 0 : i32
      %dma_wait3A_1231 = arith.constant 0 : i32
      %dma_wait3A_1232 = tpu.memref_slice %arg2[%dma_wait3A, %dma_wait3A_1231] : memref<256x1024xf32, #tpu.memory_space<hbm>> -> memref<256x1024xf32, #tpu.memory_space<hbm>>
      tpu.wait_indirect_dma semaphore(%arg13 : memref<!tpu.dma_semaphore, #tpu.memory_space<semaphore_mem>>) src(%dma_wait3A_1232 : memref<256x1024xf32, #tpu.memory_space<hbm>>) dst(%arg11 : memref<8x1024xf32, #tpu.memory_space<vmem>>)
      %dma_wait3A_1233 = arith.constant 0 : i32
      %dma_wait3A_1234 = arith.constant 0 : i32
      %dma_wait3A_1235 = tpu.memref_slice %arg3[%dma_wait3A_1233, %dma_wait3A_1234] : memref<256x1024xf32, #tpu.memory_space<hbm>> -> memref<256x1024xf32, #tpu.memory_space<hbm>>
      tpu.wait_indirect_dma semaphore(%arg14 : memref<!tpu.dma_semaphore, #tpu.memory_space<semaphore_mem>>) src(%dma_wait3A_1235 : memref<256x1024xf32, #tpu.memory_space<hbm>>) dst(%arg12 : memref<8x1024xf32, #tpu.memory_space<vmem>>)
      "tpu.region"() ({
        %run_scoped3A = tpu.sem_alloc : memref<!tpu.dma_semaphore, #tpu.memory_space<semaphore_mem>>
        %dma_start3A_1236 = arith.constant 0 : i32
        %dma_start3A_1237 = arith.constant 0 : i32
        %dma_start3A_1238 = tpu.memref_slice %arg6[%add3A, %dma_start3A_1236, %dma_start3A_1237] : memref<4x8x1024xf32, #tpu.memory_space<hbm>> -> memref<1x8x1024xf32, #tpu.memory_space<hbm>>
        %dma_start3A_1239 = tpu.memref_squeeze %dma_start3A_1238 : memref<1x8x1024xf32, #tpu.memory_space<hbm>> -> memref<8x1024xf32, #tpu.memory_space<hbm>>
        %dma_start3A_1240 = arith.constant 0 : i32
        %dma_start3A_1241 = arith.constant 0 : i32
        %dma_start3A_1242 = tpu.memref_slice %arg6[%add3A, %dma_start3A_1240, %dma_start3A_1241] : memref<4x8x1024xf32, #tpu.memory_space<hbm>> -> memref<1x8x1024xf32, #tpu.memory_space<hbm>>
        %dma_start3A_1243 = tpu.memref_squeeze %dma_start3A_1242 : memref<1x8x1024xf32, #tpu.memory_space<hbm>> -> memref<8x1024xf32, #tpu.memory_space<hbm>>
        tpu.enqueue_dma source(%arg11 : memref<8x1024xf32, #tpu.memory_space<vmem>>) target(%dma_start3A_1243 : memref<8x1024xf32, #tpu.memory_space<hbm>>) target_semaphore(%run_scoped3A : memref<!tpu.dma_semaphore, #tpu.memory_space<semaphore_mem>>)
        %dma_wait3A_1244 = arith.constant 0 : i32
        %dma_wait3A_1245 = arith.constant 0 : i32
        %dma_wait3A_1246 = tpu.memref_slice %arg6[%add3A, %dma_wait3A_1244, %dma_wait3A_1245] : memref<4x8x1024xf32, #tpu.memory_space<hbm>> -> memref<1x8x1024xf32, #tpu.memory_space<hbm>>
        %dma_wait3A_1247 = tpu.memref_squeeze %dma_wait3A_1246 : memref<1x8x1024xf32, #tpu.memory_space<hbm>> -> memref<8x1024xf32, #tpu.memory_space<hbm>>
        %dma_wait3A_1248 = arith.constant 0 : i32
        %dma_wait3A_1249 = arith.constant 0 : i32
        %dma_wait3A_1250 = tpu.memref_slice %arg6[%add3A, %dma_wait3A_1248, %dma_wait3A_1249] : memref<4x8x1024xf32, #tpu.memory_space<hbm>> -> memref<1x8x1024xf32, #tpu.memory_space<hbm>>
        %dma_wait3A_1251 = tpu.memref_squeeze %dma_wait3A_1250 : memref<1x8x1024xf32, #tpu.memory_space<hbm>> -> memref<8x1024xf32, #tpu.memory_space<hbm>>
        tpu.wait_dma2 semaphore(%run_scoped3A : memref<!tpu.dma_semaphore, #tpu.memory_space<semaphore_mem>>) src(%arg11 : memref<8x1024xf32, #tpu.memory_space<vmem>>) dst(%dma_wait3A_1251 : memref<8x1024xf32, #tpu.memory_space<hbm>>)
        tpu.yield
      }) : () -> ()
      "tpu.region"() ({
        %run_scoped3A = tpu.sem_alloc : memref<!tpu.dma_semaphore, #tpu.memory_space<semaphore_mem>>
        %dma_start3A_1236 = arith.constant 0 : i32
        %dma_start3A_1237 = arith.constant 0 : i32
        %dma_start3A_1238 = tpu.memref_slice %arg7[%add3A, %dma_start3A_1236, %dma_start3A_1237] : memref<4x8x1024xf32, #tpu.memory_space<hbm>> -> memref<1x8x1024xf32, #tpu.memory_space<hbm>>
        %dma_start3A_1239 = tpu.memref_squeeze %dma_start3A_1238 : memref<1x8x1024xf32, #tpu.memory_space<hbm>> -> memref<8x1024xf32, #tpu.memory_space<hbm>>
        %dma_start3A_1240 = arith.constant 0 : i32
        %dma_start3A_1241 = arith.constant 0 : i32
        %dma_start3A_1242 = tpu.memref_slice %arg7[%add3A, %dma_start3A_1240, %dma_start3A_1241] : memref<4x8x1024xf32, #tpu.memory_space<hbm>> -> memref<1x8x1024xf32, #tpu.memory_space<hbm>>
        %dma_start3A_1243 = tpu.memref_squeeze %dma_start3A_1242 : memref<1x8x1024xf32, #tpu.memory_space<hbm>> -> memref<8x1024xf32, #tpu.memory_space<hbm>>
        tpu.enqueue_dma source(%arg12 : memref<8x1024xf32, #tpu.memory_space<vmem>>) target(%dma_start3A_1243 : memref<8x1024xf32, #tpu.memory_space<hbm>>) target_semaphore(%run_scoped3A : memref<!tpu.dma_semaphore, #tpu.memory_space<semaphore_mem>>)
        %dma_wait3A_1244 = arith.constant 0 : i32
        %dma_wait3A_1245 = arith.constant 0 : i32
        %dma_wait3A_1246 = tpu.memref_slice %arg7[%add3A, %dma_wait3A_1244, %dma_wait3A_1245] : memref<4x8x1024xf32, #tpu.memory_space<hbm>> -> memref<1x8x1024xf32, #tpu.memory_space<hbm>>
        %dma_wait3A_1247 = tpu.memref_squeeze %dma_wait3A_1246 : memref<1x8x1024xf32, #tpu.memory_space<hbm>> -> memref<8x1024xf32, #tpu.memory_space<hbm>>
        %dma_wait3A_1248 = arith.constant 0 : i32
        %dma_wait3A_1249 = arith.constant 0 : i32
        %dma_wait3A_1250 = tpu.memref_slice %arg7[%add3A, %dma_wait3A_1248, %dma_wait3A_1249] : memref<4x8x1024xf32, #tpu.memory_space<hbm>> -> memref<1x8x1024xf32, #tpu.memory_space<hbm>>
        %dma_wait3A_1251 = tpu.memref_squeeze %dma_wait3A_1250 : memref<1x8x1024xf32, #tpu.memory_space<hbm>> -> memref<8x1024xf32, #tpu.memory_space<hbm>>
        tpu.wait_dma2 semaphore(%run_scoped3A : memref<!tpu.dma_semaphore, #tpu.memory_space<semaphore_mem>>) src(%arg12 : memref<8x1024xf32, #tpu.memory_space<vmem>>) dst(%dma_wait3A_1251 : memref<8x1024xf32, #tpu.memory_space<hbm>>)
        tpu.yield
      }) : () -> ()
    } else {
    }
    return
  }
}

module attributes {stable_mosaic.version = 14 : i64} {
  func.func @_reduce_body(%arg0: i32, %arg1: i32, %arg2: memref<1x16x128x1024xf32, #tpu.memory_space<vmem>>, %arg3: memref<1x16x128xf32, #tpu.memory_space<vmem>>, %arg4: memref<1x16x1024xf32, #tpu.memory_space<vmem>>, %arg5: memref<1x16x1024xf32, #tpu.memory_space<vmem>>, %arg6: memref<1x16x128xf32, #tpu.memory_space<vmem>>, %arg7: memref<1x16x128xf32, #tpu.memory_space<vmem>>) attributes {dimension_semantics = [#tpu.dimension_semantics<arbitrary>, #tpu.dimension_semantics<arbitrary>], iteration_bounds = array<i64: 4, 4>, scalar_prefetch = 0 : i64, scratch_operands = 0 : i64, tpu.core_type = #tpu.core_type<tc>, window_params = [{transform_indices = @transform_0, window_bounds = array<i64: 1, 16, 128, 1024>}, {transform_indices = @transform_1, window_bounds = array<i64: 1, 16, 128>}, {transform_indices = @transform_2, window_bounds = array<i64: 1, 16, 1024>}, {transform_indices = @transform_3, window_bounds = array<i64: 1, 16, 1024>}, {transform_indices = @transform_4, window_bounds = array<i64: 1, 16, 128>}, {transform_indices = @transform_5, window_bounds = array<i64: 1, 16, 128>}]} {
    %get3A = arith.constant 0 : index
    %get3A_0 = arith.constant 0 : index
    %get3A_1 = arith.constant 0 : index
    %get3A_2 = arith.constant 0 : index
    %get3A_3 = vector.load %arg2[%get3A, %get3A_0, %get3A_1, %get3A_2] : memref<1x16x128x1024xf32, #tpu.memory_space<vmem>>, vector<1x16x128x1024xf32>
    %reduce_sum3A = arith.constant dense<0.000000e+00> : vector<1x16x1024xf32>
    %reduce_sum3A_4 = vector.multi_reduction <add>, %get3A_3, %reduce_sum3A [2] : vector<1x16x128x1024xf32> to vector<1x16x1024xf32>
    %div3A = arith.constant 1.280000e+02 : f32
    %div3A_5 = vector.broadcast %div3A : f32 to vector<1x16x1024xf32>
    %div3A_6 = arith.divf %reduce_sum3A_4, %div3A_5 : vector<1x16x1024xf32>
    %swap3A = arith.constant 0 : index
    %swap3A_7 = arith.constant 0 : index
    %swap3A_8 = arith.constant 0 : index
    %swap3A_9 = vector.load %arg4[%swap3A, %swap3A_7, %swap3A_8] : memref<1x16x1024xf32, #tpu.memory_space<vmem>>, vector<1x16x1024xf32>
    tpu.vector_store %arg4[%swap3A, %swap3A_7, %swap3A_8], %div3A_6 {strides = array<i32>} : memref<1x16x1024xf32, #tpu.memory_space<vmem>>, vector<1x16x1024xf32>,
    %slice3A = vector.extract_strided_slice %get3A_3 {offsets = [0, 0, 127, 0], sizes = [1, 16, 1, 1024], strides = [1, 1, 1, 1]} : vector<1x16x128x1024xf32> to vector<1x16x1x1024xf32>
    %squeeze3A = vector.shape_cast %slice3A : vector<1x16x1x1024xf32> to vector<1x16x1024xf32>
    %swap3A_10 = arith.constant 0 : index
    %swap3A_11 = arith.constant 0 : index
    %swap3A_12 = arith.constant 0 : index
    %swap3A_13 = vector.load %arg5[%swap3A_10, %swap3A_11, %swap3A_12] : memref<1x16x1024xf32, #tpu.memory_space<vmem>>, vector<1x16x1024xf32>
    tpu.vector_store %arg5[%swap3A_10, %swap3A_11, %swap3A_12], %squeeze3A {strides = array<i32>} : memref<1x16x1024xf32, #tpu.memory_space<vmem>>, vector<1x16x1024xf32>,
    %mul3A = arith.mulf %div3A_6, %div3A_6 : vector<1x16x1024xf32>
    %reduce_sum3A_14 = arith.constant dense<0.000000e+00> : vector<1x16xf32>
    %reduce_sum3A_15 = vector.multi_reduction <add>, %mul3A, %reduce_sum3A_14 [2] : vector<1x16x1024xf32> to vector<1x16xf32>
    %broadcast_in_dim3A = vector.shape_cast %reduce_sum3A_15 : vector<1x16xf32> to vector<1x16x1xf32>
    %broadcast_in_dim3A_16 = vector.shape_cast %broadcast_in_dim3A : vector<1x16x1xf32> to vector<1x16x1xf32>
    %broadcast_in_dim3A_17 = vector.broadcast %broadcast_in_dim3A_16 : vector<1x16x1xf32> to vector<1x16x128xf32>
    %swap3A_18 = arith.constant 0 : index
    %swap3A_19 = arith.constant 0 : index
    %swap3A_20 = arith.constant 0 : index
    %swap3A_21 = vector.load %arg6[%swap3A_18, %swap3A_19, %swap3A_20] : memref<1x16x128xf32, #tpu.memory_space<vmem>>, vector<1x16x128xf32>
    tpu.vector_store %arg6[%swap3A_18, %swap3A_19, %swap3A_20], %broadcast_in_dim3A_17 {strides = array<i32>} : memref<1x16x128xf32, #tpu.memory_space<vmem>>, vector<1x16x128xf32>,
    %get3A_22 = arith.constant 0 : index
    %get3A_23 = arith.constant 0 : index
    %get3A_24 = arith.constant 0 : index
    %get3A_25 = vector.load %arg3[%get3A_22, %get3A_23, %get3A_24] : memref<1x16x128xf32, #tpu.memory_space<vmem>>, vector<1x16x128xf32>
    %reduce_sum3A_26 = arith.constant dense<0.000000e+00> : vector<1x16xf32>
    %reduce_sum3A_27 = vector.multi_reduction <add>, %get3A_25, %reduce_sum3A_26 [2] : vector<1x16x128xf32> to vector<1x16xf32>
    %div3A_28 = arith.constant 1.280000e+02 : f32
    %div3A_29 = vector.broadcast %div3A_28 : f32 to vector<1x16xf32>
    %div3A_30 = arith.divf %reduce_sum3A_27, %div3A_29 : vector<1x16xf32>
    %broadcast_in_dim3A_31 = vector.shape_cast %div3A_30 : vector<1x16xf32> to vector<1x16x1xf32>
    %broadcast_in_dim3A_32 = vector.shape_cast %broadcast_in_dim3A_31 : vector<1x16x1xf32> to vector<1x16x1xf32>
    %broadcast_in_dim3A_33 = vector.broadcast %broadcast_in_dim3A_32 : vector<1x16x1xf32> to vector<1x16x128xf32>
    %swap3A_34 = arith.constant 0 : index
    %swap3A_35 = arith.constant 0 : index
    %swap3A_36 = arith.constant 0 : index
    %swap3A_37 = vector.load %arg7[%swap3A_34, %swap3A_35, %swap3A_36] : memref<1x16x128xf32, #tpu.memory_space<vmem>>, vector<1x16x128xf32>
    tpu.vector_store %arg7[%swap3A_34, %swap3A_35, %swap3A_36], %broadcast_in_dim3A_33 {strides = array<i32>} : memref<1x16x128xf32, #tpu.memory_space<vmem>>, vector<1x16x128xf32>,
    return
  }
  func.func @transform_0(%arg0: i32, %arg1: i32) -> (i32, i32, i32, i32) {
    %c0_i32 = arith.constant 0 : i32
    %c0_i32_0 = arith.constant 0 : i32
    %c0_i32_1 = arith.constant 0 : i32
    return %arg0, %arg1, %c0_i32, %c0_i32_0 : i32, i32, i32, i32
  }
  func.func @transform_1(%arg0: i32, %arg1: i32) -> (i32, i32, i32) {
    %c0_i32 = arith.constant 0 : i32
    %c0_i32_0 = arith.constant 0 : i32
    return %arg0, %arg1, %c0_i32 : i32, i32, i32
  }
  func.func @transform_2(%arg0: i32, %arg1: i32) -> (i32, i32, i32) {
    %c0_i32 = arith.constant 0 : i32
    %c0_i32_0 = arith.constant 0 : i32
    return %arg0, %arg1, %c0_i32 : i32, i32, i32
  }
  func.func @transform_3(%arg0: i32, %arg1: i32) -> (i32, i32, i32) {
    %c0_i32 = arith.constant 0 : i32
    %c0_i32_0 = arith.constant 0 : i32
    return %arg0, %arg1, %c0_i32 : i32, i32, i32
  }
  func.func @transform_4(%arg0: i32, %arg1: i32) -> (i32, i32, i32) {
    %c0_i32 = arith.constant 0 : i32
    %c0_i32_0 = arith.constant 0 : i32
    return %arg0, %arg1, %c0_i32 : i32, i32, i32
  }
  func.func @transform_5(%arg0: i32, %arg1: i32) -> (i32, i32, i32) {
    %c0_i32 = arith.constant 0 : i32
    %c0_i32_0 = arith.constant 0 : i32
    return %arg0, %arg1, %c0_i32 : i32, i32, i32
  }
}

module attributes {stable_mosaic.version = 14 : i64} {
  func.func @_finish_body(%arg0: memref<4x64x1024xf32, #tpu.memory_space<vmem>>, %arg1: memref<4x64x1024xf32, #tpu.memory_space<vmem>>, %arg2: memref<4x8x1024xf32, #tpu.memory_space<vmem>>, %arg3: memref<4x8x1024xf32, #tpu.memory_space<vmem>>, %arg4: memref<64x1024xf32, #tpu.memory_space<vmem>>, %arg5: memref<1024x2048xf32, #tpu.memory_space<vmem>>, %arg6: memref<1024x1024xf32, #tpu.memory_space<vmem>>, %arg7: memref<1024x1024xf32, #tpu.memory_space<vmem>>, %arg8: memref<1024x1024xf32, #tpu.memory_space<vmem>>, %arg9: memref<4x64x1024xf32, #tpu.memory_space<vmem>>) attributes {dimension_semantics = [], scalar_prefetch = 0 : i64, scratch_operands = 0 : i64, tpu.core_type = #tpu.core_type<tc>} {
    %iota3A = tpu.iota {dimensions = array<i32: 0>} : vector<64x8xi32>
    %iota3A_0 = tpu.iota {dimensions = array<i32: 1>} : vector<64x8xi32>
    %lt3A = arith.constant 4 : i32
    %lt3A_1 = vector.broadcast %lt3A : i32 to vector<64x8xi32>
    %lt3A_2 = arith.cmpi slt, %iota3A_0, %lt3A_1 : vector<64x8xi32>
    %jit3A = arith.constant 16 : i32
    %div3A = vector.broadcast %jit3A : i32 to vector<64x8xi32>
    %div3A_3 = arith.divsi %iota3A, %div3A : vector<64x8xi32>
    %sign3A = arith.constant 0 : i32
    %sign3A_4 = vector.broadcast %sign3A : i32 to vector<64x8xi32>
    %sign3A_5 = arith.cmpi sgt, %iota3A, %sign3A_4 : vector<64x8xi32>
    %sign3A_6 = arith.extui %sign3A_5 : vector<64x8xi1> to vector<64x8xi32>
    %sign3A_7 = arith.constant 0 : i32
    %sign3A_8 = vector.broadcast %sign3A_7 : i32 to vector<64x8xi32>
    %sign3A_9 = arith.cmpi slt, %iota3A, %sign3A_8 : vector<64x8xi32>
    %sign3A_10 = arith.extui %sign3A_9 : vector<64x8xi1> to vector<64x8xi32>
    %sign3A_11 = arith.subi %sign3A_6, %sign3A_10 : vector<64x8xi32>
    %sign3A_12 = arith.constant 0 : i32
    %sign3A_13 = arith.cmpi sgt, %jit3A, %sign3A_12 : i32
    %sign3A_14 = arith.extui %sign3A_13 : i1 to i32
    %sign3A_15 = arith.constant 0 : i32
    %sign3A_16 = arith.cmpi slt, %jit3A, %sign3A_15 : i32
    %sign3A_17 = arith.extui %sign3A_16 : i1 to i32
    %sign3A_18 = arith.subi %sign3A_14, %sign3A_17 : i32
    %ne3A = vector.broadcast %sign3A_18 : i32 to vector<64x8xi32>
    %ne3A_19 = arith.cmpi ne, %sign3A_11, %ne3A : vector<64x8xi32>
    %rem3A = vector.broadcast %jit3A : i32 to vector<64x8xi32>
    %rem3A_20 = arith.remsi %iota3A, %rem3A : vector<64x8xi32>
    %ne3A_21 = arith.constant 0 : i32
    %ne3A_22 = vector.broadcast %ne3A_21 : i32 to vector<64x8xi32>
    %ne3A_23 = arith.cmpi ne, %rem3A_20, %ne3A_22 : vector<64x8xi32>
    %and3A = arith.andi %ne3A_19, %ne3A_23 : vector<64x8xi1>
    %sub3A = arith.constant 1 : i32
    %sub3A_24 = vector.broadcast %sub3A : i32 to vector<64x8xi32>
    %sub3A_25 = arith.subi %div3A_3, %sub3A_24 : vector<64x8xi32>
    %select_n3A = arith.select %and3A, %sub3A_25, %div3A_3 : vector<64x8xi1>, vector<64x8xi32>
    %eq3A = arith.cmpi eq, %select_n3A, %iota3A_0 : vector<64x8xi32>
    %and3A_26 = arith.andi %lt3A_2, %eq3A : vector<64x8xi1>
    %jit3A_27 = arith.constant 6.250000e-02 : f32
    %jit3A_28 = arith.constant 0.000000e+00 : f32
    %broadcast_in_dim3A = vector.broadcast %jit3A_27 : f32 to vector<64x8xf32>
    %broadcast_in_dim3A_29 = vector.broadcast %jit3A_28 : f32 to vector<64x8xf32>
    %select_n3A_30 = arith.select %and3A_26, %broadcast_in_dim3A, %broadcast_in_dim3A_29 : vector<64x8xi1>, vector<64x8xf32>
    %eq3A_31 = arith.constant 4 : i32
    %eq3A_32 = vector.broadcast %eq3A_31 : i32 to vector<64x8xi32>
    %eq3A_33 = arith.cmpi eq, %iota3A_0, %eq3A_32 : vector<64x8xi32>
    %jit3A_34 = arith.constant 1.562500e-02 : f32
    %jit3A_35 = arith.constant 0.000000e+00 : f32
    %broadcast_in_dim3A_36 = vector.broadcast %jit3A_34 : f32 to vector<64x8xf32>
    %broadcast_in_dim3A_37 = vector.broadcast %jit3A_35 : f32 to vector<64x8xf32>
    %select_n3A_38 = arith.select %eq3A_33, %broadcast_in_dim3A_36, %broadcast_in_dim3A_37 : vector<64x8xi1>, vector<64x8xf32>
    %add3A = arith.addf %select_n3A_30, %select_n3A_38 : vector<64x8xf32>
    %lt3A_39 = arith.constant 4 : i32
    %lt3A_40 = vector.broadcast %lt3A_39 : i32 to vector<64x8xi32>
    %lt3A_41 = arith.cmpi slt, %iota3A_0, %lt3A_40 : vector<64x8xi32>
    %mul3A = arith.constant 16 : i32
    %mul3A_42 = vector.broadcast %mul3A : i32 to vector<64x8xi32>
    %mul3A_43 = arith.muli %iota3A_0, %mul3A_42 : vector<64x8xi32>
    %add3A_44 = arith.constant 15 : i32
    %add3A_45 = vector.broadcast %add3A_44 : i32 to vector<64x8xi32>
    %add3A_46 = arith.addi %mul3A_43, %add3A_45 : vector<64x8xi32>
    %eq3A_47 = arith.cmpi eq, %iota3A, %add3A_46 : vector<64x8xi32>
    %and3A_48 = arith.andi %lt3A_41, %eq3A_47 : vector<64x8xi1>
    %jit3A_49 = arith.constant 1.000000e+00 : f32
    %jit3A_50 = arith.constant 0.000000e+00 : f32
    %broadcast_in_dim3A_51 = vector.broadcast %jit3A_49 : f32 to vector<64x8xf32>
    %broadcast_in_dim3A_52 = vector.broadcast %jit3A_50 : f32 to vector<64x8xf32>
    %select_n3A_53 = arith.select %and3A_48, %broadcast_in_dim3A_51, %broadcast_in_dim3A_52 : vector<64x8xi1>, vector<64x8xf32>
    %eq3A_54 = arith.constant 4 : i32
    %eq3A_55 = vector.broadcast %eq3A_54 : i32 to vector<64x8xi32>
    %eq3A_56 = arith.cmpi eq, %iota3A_0, %eq3A_55 : vector<64x8xi32>
    %eq3A_57 = arith.constant 63 : i32
    %eq3A_58 = vector.broadcast %eq3A_57 : i32 to vector<64x8xi32>
    %eq3A_59 = arith.cmpi eq, %iota3A, %eq3A_58 : vector<64x8xi32>
    %and3A_60 = arith.andi %eq3A_56, %eq3A_59 : vector<64x8xi1>
    %jit3A_61 = arith.constant 1.000000e+00 : f32
    %jit3A_62 = arith.constant 0.000000e+00 : f32
    %broadcast_in_dim3A_63 = vector.broadcast %jit3A_61 : f32 to vector<64x8xf32>
    %broadcast_in_dim3A_64 = vector.broadcast %jit3A_62 : f32 to vector<64x8xf32>
    %select_n3A_65 = arith.select %and3A_60, %broadcast_in_dim3A_63, %broadcast_in_dim3A_64 : vector<64x8xi1>, vector<64x8xf32>
    %add3A_66 = arith.addf %select_n3A_53, %select_n3A_65 : vector<64x8xf32>
    %get3A = arith.constant 0 : index
    %get3A_67 = arith.constant 0 : index
    %get3A_68 = arith.constant 0 : index
    %get3A_69 = vector.load %arg2[%get3A, %get3A_67, %get3A_68] : memref<4x8x1024xf32, #tpu.memory_space<vmem>>, vector<1x8x1024xf32>
    %get3A_70 = vector.shape_cast %get3A_69 : vector<1x8x1024xf32> to vector<8x1024xf32>
    %get3A_71 = arith.constant 0 : index
    %get3A_72 = arith.constant 0 : index
    %get3A_73 = arith.constant 0 : index
    %get3A_74 = vector.load %arg0[%get3A_71, %get3A_72, %get3A_73] : memref<4x64x1024xf32, #tpu.memory_space<vmem>>, vector<1x64x1024xf32>
    %get3A_75 = vector.shape_cast %get3A_74 : vector<1x64x1024xf32> to vector<64x1024xf32>
    %dot_general3A = arith.constant dense<0.000000e+00> : vector<8x1024xf32>
    %dot_general3A_76 = tpu.matmul %add3A, %get3A_75, %dot_general3A {dimension_numbers = #tpu.dot_dimension_numbers<[0], [0], [1], [1], [0, 1, 1, 1], [], []>, transpose_lhs_hint = false} : vector<64x8xf32>, vector<64x1024xf32>, vector<8x1024xf32> -> vector<8x1024xf32>
    %concatenate3A = tpu.concatenate %get3A_70, %dot_general3A_76 in 0 : vector<8x1024xf32>, vector<8x1024xf32> -> vector<16x1024xf32>
    %get3A_77 = arith.constant 0 : index
    %get3A_78 = arith.constant 0 : index
    %get3A_79 = arith.constant 0 : index
    %get3A_80 = vector.load %arg3[%get3A_77, %get3A_78, %get3A_79] : memref<4x8x1024xf32, #tpu.memory_space<vmem>>, vector<1x8x1024xf32>
    %get3A_81 = vector.shape_cast %get3A_80 : vector<1x8x1024xf32> to vector<8x1024xf32>
    %get3A_82 = arith.constant 0 : index
    %get3A_83 = arith.constant 0 : index
    %get3A_84 = arith.constant 0 : index
    %get3A_85 = vector.load %arg1[%get3A_82, %get3A_83, %get3A_84] : memref<4x64x1024xf32, #tpu.memory_space<vmem>>, vector<1x64x1024xf32>
    %get3A_86 = vector.shape_cast %get3A_85 : vector<1x64x1024xf32> to vector<64x1024xf32>
    %dot_general3A_87 = arith.constant dense<0.000000e+00> : vector<8x1024xf32>
    %dot_general3A_88 = tpu.matmul %add3A_66, %get3A_86, %dot_general3A_87 {dimension_numbers = #tpu.dot_dimension_numbers<[0], [0], [1], [1], [0, 1, 1, 1], [], []>, transpose_lhs_hint = false} : vector<64x8xf32>, vector<64x1024xf32>, vector<8x1024xf32> -> vector<8x1024xf32>
    %concatenate3A_89 = tpu.concatenate %get3A_81, %dot_general3A_88 in 0 : vector<8x1024xf32>, vector<8x1024xf32> -> vector<16x1024xf32>
    %get3A_90 = arith.constant 1 : index
    %get3A_91 = arith.constant 0 : index
    %get3A_92 = arith.constant 0 : index
    %get3A_93 = vector.load %arg2[%get3A_90, %get3A_91, %get3A_92] : memref<4x8x1024xf32, #tpu.memory_space<vmem>>, vector<1x8x1024xf32>
    %get3A_94 = vector.shape_cast %get3A_93 : vector<1x8x1024xf32> to vector<8x1024xf32>
    %get3A_95 = arith.constant 1 : index
    %get3A_96 = arith.constant 0 : index
    %get3A_97 = arith.constant 0 : index
    %get3A_98 = vector.load %arg0[%get3A_95, %get3A_96, %get3A_97] : memref<4x64x1024xf32, #tpu.memory_space<vmem>>, vector<1x64x1024xf32>
    %get3A_99 = vector.shape_cast %get3A_98 : vector<1x64x1024xf32> to vector<64x1024xf32>
    %dot_general3A_100 = arith.constant dense<0.000000e+00> : vector<8x1024xf32>
    %dot_general3A_101 = tpu.matmul %add3A, %get3A_99, %dot_general3A_100 {dimension_numbers = #tpu.dot_dimension_numbers<[0], [0], [1], [1], [0, 1, 1, 1], [], []>, transpose_lhs_hint = false} : vector<64x8xf32>, vector<64x1024xf32>, vector<8x1024xf32> -> vector<8x1024xf32>
    %concatenate3A_102 = tpu.concatenate %get3A_94, %dot_general3A_101 in 0 : vector<8x1024xf32>, vector<8x1024xf32> -> vector<16x1024xf32>
    %get3A_103 = arith.constant 1 : index
    %get3A_104 = arith.constant 0 : index
    %get3A_105 = arith.constant 0 : index
    %get3A_106 = vector.load %arg3[%get3A_103, %get3A_104, %get3A_105] : memref<4x8x1024xf32, #tpu.memory_space<vmem>>, vector<1x8x1024xf32>
    %get3A_107 = vector.shape_cast %get3A_106 : vector<1x8x1024xf32> to vector<8x1024xf32>
    %get3A_108 = arith.constant 1 : index
    %get3A_109 = arith.constant 0 : index
    %get3A_110 = arith.constant 0 : index
    %get3A_111 = vector.load %arg1[%get3A_108, %get3A_109, %get3A_110] : memref<4x64x1024xf32, #tpu.memory_space<vmem>>, vector<1x64x1024xf32>
    %get3A_112 = vector.shape_cast %get3A_111 : vector<1x64x1024xf32> to vector<64x1024xf32>
    %dot_general3A_113 = arith.constant dense<0.000000e+00> : vector<8x1024xf32>
    %dot_general3A_114 = tpu.matmul %add3A_66, %get3A_112, %dot_general3A_113 {dimension_numbers = #tpu.dot_dimension_numbers<[0], [0], [1], [1], [0, 1, 1, 1], [], []>, transpose_lhs_hint = false} : vector<64x8xf32>, vector<64x1024xf32>, vector<8x1024xf32> -> vector<8x1024xf32>
    %concatenate3A_115 = tpu.concatenate %get3A_107, %dot_general3A_114 in 0 : vector<8x1024xf32>, vector<8x1024xf32> -> vector<16x1024xf32>
    %get3A_116 = arith.constant 2 : index
    %get3A_117 = arith.constant 0 : index
    %get3A_118 = arith.constant 0 : index
    %get3A_119 = vector.load %arg2[%get3A_116, %get3A_117, %get3A_118] : memref<4x8x1024xf32, #tpu.memory_space<vmem>>, vector<1x8x1024xf32>
    %get3A_120 = vector.shape_cast %get3A_119 : vector<1x8x1024xf32> to vector<8x1024xf32>
    %get3A_121 = arith.constant 2 : index
    %get3A_122 = arith.constant 0 : index
    %get3A_123 = arith.constant 0 : index
    %get3A_124 = vector.load %arg0[%get3A_121, %get3A_122, %get3A_123] : memref<4x64x1024xf32, #tpu.memory_space<vmem>>, vector<1x64x1024xf32>
    %get3A_125 = vector.shape_cast %get3A_124 : vector<1x64x1024xf32> to vector<64x1024xf32>
    %dot_general3A_126 = arith.constant dense<0.000000e+00> : vector<8x1024xf32>
    %dot_general3A_127 = tpu.matmul %add3A, %get3A_125, %dot_general3A_126 {dimension_numbers = #tpu.dot_dimension_numbers<[0], [0], [1], [1], [0, 1, 1, 1], [], []>, transpose_lhs_hint = false} : vector<64x8xf32>, vector<64x1024xf32>, vector<8x1024xf32> -> vector<8x1024xf32>
    %concatenate3A_128 = tpu.concatenate %get3A_120, %dot_general3A_127 in 0 : vector<8x1024xf32>, vector<8x1024xf32> -> vector<16x1024xf32>
    %get3A_129 = arith.constant 2 : index
    %get3A_130 = arith.constant 0 : index
    %get3A_131 = arith.constant 0 : index
    %get3A_132 = vector.load %arg3[%get3A_129, %get3A_130, %get3A_131] : memref<4x8x1024xf32, #tpu.memory_space<vmem>>, vector<1x8x1024xf32>
    %get3A_133 = vector.shape_cast %get3A_132 : vector<1x8x1024xf32> to vector<8x1024xf32>
    %get3A_134 = arith.constant 2 : index
    %get3A_135 = arith.constant 0 : index
    %get3A_136 = arith.constant 0 : index
    %get3A_137 = vector.load %arg1[%get3A_134, %get3A_135, %get3A_136] : memref<4x64x1024xf32, #tpu.memory_space<vmem>>, vector<1x64x1024xf32>
    %get3A_138 = vector.shape_cast %get3A_137 : vector<1x64x1024xf32> to vector<64x1024xf32>
    %dot_general3A_139 = arith.constant dense<0.000000e+00> : vector<8x1024xf32>
    %dot_general3A_140 = tpu.matmul %add3A_66, %get3A_138, %dot_general3A_139 {dimension_numbers = #tpu.dot_dimension_numbers<[0], [0], [1], [1], [0, 1, 1, 1], [], []>, transpose_lhs_hint = false} : vector<64x8xf32>, vector<64x1024xf32>, vector<8x1024xf32> -> vector<8x1024xf32>
    %concatenate3A_141 = tpu.concatenate %get3A_133, %dot_general3A_140 in 0 : vector<8x1024xf32>, vector<8x1024xf32> -> vector<16x1024xf32>
    %get3A_142 = arith.constant 3 : index
    %get3A_143 = arith.constant 0 : index
    %get3A_144 = arith.constant 0 : index
    %get3A_145 = vector.load %arg2[%get3A_142, %get3A_143, %get3A_144] : memref<4x8x1024xf32, #tpu.memory_space<vmem>>, vector<1x8x1024xf32>
    %get3A_146 = vector.shape_cast %get3A_145 : vector<1x8x1024xf32> to vector<8x1024xf32>
    %get3A_147 = arith.constant 3 : index
    %get3A_148 = arith.constant 0 : index
    %get3A_149 = arith.constant 0 : index
    %get3A_150 = vector.load %arg0[%get3A_147, %get3A_148, %get3A_149] : memref<4x64x1024xf32, #tpu.memory_space<vmem>>, vector<1x64x1024xf32>
    %get3A_151 = vector.shape_cast %get3A_150 : vector<1x64x1024xf32> to vector<64x1024xf32>
    %dot_general3A_152 = arith.constant dense<0.000000e+00> : vector<8x1024xf32>
    %dot_general3A_153 = tpu.matmul %add3A, %get3A_151, %dot_general3A_152 {dimension_numbers = #tpu.dot_dimension_numbers<[0], [0], [1], [1], [0, 1, 1, 1], [], []>, transpose_lhs_hint = false} : vector<64x8xf32>, vector<64x1024xf32>, vector<8x1024xf32> -> vector<8x1024xf32>
    %concatenate3A_154 = tpu.concatenate %get3A_146, %dot_general3A_153 in 0 : vector<8x1024xf32>, vector<8x1024xf32> -> vector<16x1024xf32>
    %get3A_155 = arith.constant 3 : index
    %get3A_156 = arith.constant 0 : index
    %get3A_157 = arith.constant 0 : index
    %get3A_158 = vector.load %arg3[%get3A_155, %get3A_156, %get3A_157] : memref<4x8x1024xf32, #tpu.memory_space<vmem>>, vector<1x8x1024xf32>
    %get3A_159 = vector.shape_cast %get3A_158 : vector<1x8x1024xf32> to vector<8x1024xf32>
    %get3A_160 = arith.constant 3 : index
    %get3A_161 = arith.constant 0 : index
    %get3A_162 = arith.constant 0 : index
    %get3A_163 = vector.load %arg1[%get3A_160, %get3A_161, %get3A_162] : memref<4x64x1024xf32, #tpu.memory_space<vmem>>, vector<1x64x1024xf32>
    %get3A_164 = vector.shape_cast %get3A_163 : vector<1x64x1024xf32> to vector<64x1024xf32>
    %dot_general3A_165 = arith.constant dense<0.000000e+00> : vector<8x1024xf32>
    %dot_general3A_166 = tpu.matmul %add3A_66, %get3A_164, %dot_general3A_165 {dimension_numbers = #tpu.dot_dimension_numbers<[0], [0], [1], [1], [0, 1, 1, 1], [], []>, transpose_lhs_hint = false} : vector<64x8xf32>, vector<64x1024xf32>, vector<8x1024xf32> -> vector<8x1024xf32>
    %concatenate3A_167 = tpu.concatenate %get3A_159, %dot_general3A_166 in 0 : vector<8x1024xf32>, vector<8x1024xf32> -> vector<16x1024xf32>
    %concatenate3A_168 = tpu.concatenate %concatenate3A, %concatenate3A_102, %concatenate3A_128, %concatenate3A_154 in 0 : vector<16x1024xf32>, vector<16x1024xf32>, vector<16x1024xf32>, vector<16x1024xf32> -> vector<64x1024xf32>
    %concatenate3A_169 = tpu.concatenate %concatenate3A_89, %concatenate3A_115, %concatenate3A_141, %concatenate3A_167 in 0 : vector<16x1024xf32>, vector<16x1024xf32>, vector<16x1024xf32>, vector<16x1024xf32> -> vector<64x1024xf32>
    %get3A_170 = arith.constant 0 : index
    %get3A_171 = arith.constant 0 : index
    %get3A_172 = vector.load %arg5[%get3A_170, %get3A_171] : memref<1024x2048xf32, #tpu.memory_space<vmem>>, vector<1024x2048xf32>
    %slice3A = vector.extract_strided_slice %get3A_172 {offsets = [0, 0], sizes = [1024, 1024], strides = [1, 1]} : vector<1024x2048xf32> to vector<1024x1024xf32>
    %dot_general3A_173 = arith.constant dense<0.000000e+00> : vector<64x1024xf32>
    %dot_general3A_174 = tpu.matmul %concatenate3A_168, %slice3A, %dot_general3A_173 {dimension_numbers = #tpu.dot_dimension_numbers<[1], [1], [0], [0], [0, 0, 1, 0], [], []>, transpose_lhs_hint = false} : vector<64x1024xf32>, vector<1024x1024xf32>, vector<64x1024xf32> -> vector<64x1024xf32>
    %slice3A_175 = vector.extract_strided_slice %get3A_172 {offsets = [0, 1024], sizes = [1024, 1024], strides = [1, 1]} : vector<1024x2048xf32> to vector<1024x1024xf32>
    %dot_general3A_176 = arith.constant dense<0.000000e+00> : vector<64x1024xf32>
    %dot_general3A_177 = tpu.matmul %concatenate3A_169, %slice3A_175, %dot_general3A_176 {dimension_numbers = #tpu.dot_dimension_numbers<[1], [1], [0], [0], [0, 0, 1, 0], [], []>, transpose_lhs_hint = false} : vector<64x1024xf32>, vector<1024x1024xf32>, vector<64x1024xf32> -> vector<64x1024xf32>
    %add3A_178 = arith.addf %dot_general3A_174, %dot_general3A_177 : vector<64x1024xf32>
    %mul3A_179 = arith.mulf %add3A_178, %add3A_178 : vector<64x1024xf32>
    %reduce_sum3A = arith.constant dense<0.000000e+00> : vector<64xf32>
    %reduce_sum3A_180 = vector.multi_reduction <add>, %mul3A_179, %reduce_sum3A [1] : vector<64x1024xf32> to vector<64xf32>
    %broadcast_in_dim3A_181 = vector.shape_cast %reduce_sum3A_180 : vector<64xf32> to vector<64x1xf32>
    %div3A_182 = arith.constant 1.024000e+03 : f32
    %div3A_183 = vector.broadcast %div3A_182 : f32 to vector<64x1xf32>
    %div3A_184 = arith.divf %broadcast_in_dim3A_181, %div3A_183 : vector<64x1xf32>
    %add3A_185 = arith.constant 1.1920929E-7 : f32
    %add3A_186 = vector.broadcast %add3A_185 : f32 to vector<64x1xf32>
    %add3A_187 = arith.addf %div3A_184, %add3A_186 : vector<64x1xf32>
    %rsqrt3A = math.rsqrt %add3A_187 : vector<64x1xf32>
    %mul3A_188 = vector.broadcast %rsqrt3A : vector<64x1xf32> to vector<64x1024xf32>
    %mul3A_189 = arith.mulf %add3A_178, %mul3A_188 : vector<64x1024xf32>
    %get3A_190 = arith.constant 0 : index
    %get3A_191 = arith.constant 0 : index
    %get3A_192 = vector.load %arg6[%get3A_190, %get3A_191] : memref<1024x1024xf32, #tpu.memory_space<vmem>>, vector<1024x1024xf32>
    %dot_general3A_193 = arith.constant dense<0.000000e+00> : vector<64x1024xf32>
    %dot_general3A_194 = tpu.matmul %mul3A_189, %get3A_192, %dot_general3A_193 {dimension_numbers = #tpu.dot_dimension_numbers<[1], [1], [0], [0], [0, 0, 1, 0], [], []>, transpose_lhs_hint = false} : vector<64x1024xf32>, vector<1024x1024xf32>, vector<64x1024xf32> -> vector<64x1024xf32>
    %get3A_195 = arith.constant 0 : index
    %get3A_196 = arith.constant 0 : index
    %get3A_197 = vector.load %arg7[%get3A_195, %get3A_196] : memref<1024x1024xf32, #tpu.memory_space<vmem>>, vector<1024x1024xf32>
    %dot_general3A_198 = arith.constant dense<0.000000e+00> : vector<64x1024xf32>
    %dot_general3A_199 = tpu.matmul %mul3A_189, %get3A_197, %dot_general3A_198 {dimension_numbers = #tpu.dot_dimension_numbers<[1], [1], [0], [0], [0, 0, 1, 0], [], []>, transpose_lhs_hint = false} : vector<64x1024xf32>, vector<1024x1024xf32>, vector<64x1024xf32> -> vector<64x1024xf32>
    %get3A_200 = arith.constant 0 : index
    %get3A_201 = arith.constant 0 : index
    %get3A_202 = vector.load %arg4[%get3A_200, %get3A_201] : memref<64x1024xf32, #tpu.memory_space<vmem>>, vector<64x1024xf32>
    %dot_general3A_203 = arith.constant dense<0.000000e+00> : vector<64x64xf32>
    %dot_general3A_204 = tpu.matmul %get3A_202, %dot_general3A_194, %dot_general3A_203 {dimension_numbers = #tpu.dot_dimension_numbers<[1], [1], [0], [0], [0, 0, 1, 0], [], []>, transpose_lhs_hint = false} : vector<64x1024xf32>, vector<64x1024xf32>, vector<64x64xf32> -> vector<64x64xf32>
    %div3A_205 = arith.constant 3.200000e+01 : f32
    %div3A_206 = vector.broadcast %div3A_205 : f32 to vector<64x64xf32>
    %div3A_207 = arith.divf %dot_general3A_204, %div3A_206 : vector<64x64xf32>
    %iota3A_208 = tpu.iota {dimensions = array<i32: 1>} : vector<64x16xi32>
    %ge3A = arith.constant 13 : i32
    %ge3A_209 = vector.broadcast %ge3A : i32 to vector<64x16xi32>
    %ge3A_210 = arith.cmpi sge, %iota3A_208, %ge3A_209 : vector<64x16xi32>
    %slice3A_211 = vector.extract_strided_slice %div3A_207 {offsets = [0, 0], sizes = [64, 16], strides = [1, 1]} : vector<64x64xf32> to vector<64x16xf32>
    %jit3A_212 = arith.constant -3.000000e+38 : f32
    %broadcast_in_dim3A_213 = vector.broadcast %jit3A_212 : f32 to vector<64x16xf32>
    %select_n3A_214 = arith.select %ge3A_210, %broadcast_in_dim3A_213, %slice3A_211 : vector<64x16xi1>, vector<64x16xf32>
    %reduce_max3A = arith.constant dense<0xFF800000> : vector<64xf32>
    %reduce_max3A_215 = vector.multi_reduction <maximumf>, %select_n3A_214, %reduce_max3A [1] : vector<64x16xf32> to vector<64xf32>
    %broadcast_in_dim3A_216 = vector.shape_cast %reduce_max3A_215 : vector<64xf32> to vector<64x1xf32>
    %sub3A_217 = vector.broadcast %broadcast_in_dim3A_216 : vector<64x1xf32> to vector<64x16xf32>
    %sub3A_218 = arith.subf %select_n3A_214, %sub3A_217 : vector<64x16xf32>
    %exp3A = math.exp %sub3A_218 : vector<64x16xf32>
    %reduce_sum3A_219 = arith.constant dense<0.000000e+00> : vector<64xf32>
    %reduce_sum3A_220 = vector.multi_reduction <add>, %exp3A, %reduce_sum3A_219 [1] : vector<64x16xf32> to vector<64xf32>
    %broadcast_in_dim3A_221 = vector.shape_cast %reduce_sum3A_220 : vector<64xf32> to vector<64x1xf32>
    %div3A_222 = vector.broadcast %broadcast_in_dim3A_221 : vector<64x1xf32> to vector<64x16xf32>
    %div3A_223 = arith.divf %exp3A, %div3A_222 : vector<64x16xf32>
    %slice3A_224 = vector.extract_strided_slice %dot_general3A_199 {offsets = [0, 0], sizes = [16, 1024], strides = [1, 1]} : vector<64x1024xf32> to vector<16x1024xf32>
    %dot_general3A_225 = arith.constant dense<0.000000e+00> : vector<64x1024xf32>
    %dot_general3A_226 = tpu.matmul %div3A_223, %slice3A_224, %dot_general3A_225 {dimension_numbers = #tpu.dot_dimension_numbers<[1], [0], [0], [1], [0, 0, 1, 1], [], []>, transpose_lhs_hint = false} : vector<64x16xf32>, vector<16x1024xf32>, vector<64x1024xf32> -> vector<64x1024xf32>
    %slice3A_227 = vector.extract_strided_slice %div3A_207 {offsets = [0, 16], sizes = [64, 16], strides = [1, 1]} : vector<64x64xf32> to vector<64x16xf32>
    %jit3A_228 = arith.constant -3.000000e+38 : f32
    %broadcast_in_dim3A_229 = vector.broadcast %jit3A_228 : f32 to vector<64x16xf32>
    %select_n3A_230 = arith.select %ge3A_210, %broadcast_in_dim3A_229, %slice3A_227 : vector<64x16xi1>, vector<64x16xf32>
    %reduce_max3A_231 = arith.constant dense<0xFF800000> : vector<64xf32>
    %reduce_max3A_232 = vector.multi_reduction <maximumf>, %select_n3A_230, %reduce_max3A_231 [1] : vector<64x16xf32> to vector<64xf32>
    %broadcast_in_dim3A_233 = vector.shape_cast %reduce_max3A_232 : vector<64xf32> to vector<64x1xf32>
    %sub3A_234 = vector.broadcast %broadcast_in_dim3A_233 : vector<64x1xf32> to vector<64x16xf32>
    %sub3A_235 = arith.subf %select_n3A_230, %sub3A_234 : vector<64x16xf32>
    %exp3A_236 = math.exp %sub3A_235 : vector<64x16xf32>
    %reduce_sum3A_237 = arith.constant dense<0.000000e+00> : vector<64xf32>
    %reduce_sum3A_238 = vector.multi_reduction <add>, %exp3A_236, %reduce_sum3A_237 [1] : vector<64x16xf32> to vector<64xf32>
    %broadcast_in_dim3A_239 = vector.shape_cast %reduce_sum3A_238 : vector<64xf32> to vector<64x1xf32>
    %div3A_240 = vector.broadcast %broadcast_in_dim3A_239 : vector<64x1xf32> to vector<64x16xf32>
    %div3A_241 = arith.divf %exp3A_236, %div3A_240 : vector<64x16xf32>
    %slice3A_242 = vector.extract_strided_slice %dot_general3A_199 {offsets = [16, 0], sizes = [16, 1024], strides = [1, 1]} : vector<64x1024xf32> to vector<16x1024xf32>
    %dot_general3A_243 = arith.constant dense<0.000000e+00> : vector<64x1024xf32>
    %dot_general3A_244 = tpu.matmul %div3A_241, %slice3A_242, %dot_general3A_243 {dimension_numbers = #tpu.dot_dimension_numbers<[1], [0], [0], [1], [0, 0, 1, 1], [], []>, transpose_lhs_hint = false} : vector<64x16xf32>, vector<16x1024xf32>, vector<64x1024xf32> -> vector<64x1024xf32>
    %slice3A_245 = vector.extract_strided_slice %div3A_207 {offsets = [0, 32], sizes = [64, 16], strides = [1, 1]} : vector<64x64xf32> to vector<64x16xf32>
    %jit3A_246 = arith.constant -3.000000e+38 : f32
    %broadcast_in_dim3A_247 = vector.broadcast %jit3A_246 : f32 to vector<64x16xf32>
    %select_n3A_248 = arith.select %ge3A_210, %broadcast_in_dim3A_247, %slice3A_245 : vector<64x16xi1>, vector<64x16xf32>
    %reduce_max3A_249 = arith.constant dense<0xFF800000> : vector<64xf32>
    %reduce_max3A_250 = vector.multi_reduction <maximumf>, %select_n3A_248, %reduce_max3A_249 [1] : vector<64x16xf32> to vector<64xf32>
    %broadcast_in_dim3A_251 = vector.shape_cast %reduce_max3A_250 : vector<64xf32> to vector<64x1xf32>
    %sub3A_252 = vector.broadcast %broadcast_in_dim3A_251 : vector<64x1xf32> to vector<64x16xf32>
    %sub3A_253 = arith.subf %select_n3A_248, %sub3A_252 : vector<64x16xf32>
    %exp3A_254 = math.exp %sub3A_253 : vector<64x16xf32>
    %reduce_sum3A_255 = arith.constant dense<0.000000e+00> : vector<64xf32>
    %reduce_sum3A_256 = vector.multi_reduction <add>, %exp3A_254, %reduce_sum3A_255 [1] : vector<64x16xf32> to vector<64xf32>
    %broadcast_in_dim3A_257 = vector.shape_cast %reduce_sum3A_256 : vector<64xf32> to vector<64x1xf32>
    %div3A_258 = vector.broadcast %broadcast_in_dim3A_257 : vector<64x1xf32> to vector<64x16xf32>
    %div3A_259 = arith.divf %exp3A_254, %div3A_258 : vector<64x16xf32>
    %slice3A_260 = vector.extract_strided_slice %dot_general3A_199 {offsets = [32, 0], sizes = [16, 1024], strides = [1, 1]} : vector<64x1024xf32> to vector<16x1024xf32>
    %dot_general3A_261 = arith.constant dense<0.000000e+00> : vector<64x1024xf32>
    %dot_general3A_262 = tpu.matmul %div3A_259, %slice3A_260, %dot_general3A_261 {dimension_numbers = #tpu.dot_dimension_numbers<[1], [0], [0], [1], [0, 0, 1, 1], [], []>, transpose_lhs_hint = false} : vector<64x16xf32>, vector<16x1024xf32>, vector<64x1024xf32> -> vector<64x1024xf32>
    %slice3A_263 = vector.extract_strided_slice %div3A_207 {offsets = [0, 48], sizes = [64, 16], strides = [1, 1]} : vector<64x64xf32> to vector<64x16xf32>
    %jit3A_264 = arith.constant -3.000000e+38 : f32
    %broadcast_in_dim3A_265 = vector.broadcast %jit3A_264 : f32 to vector<64x16xf32>
    %select_n3A_266 = arith.select %ge3A_210, %broadcast_in_dim3A_265, %slice3A_263 : vector<64x16xi1>, vector<64x16xf32>
    %reduce_max3A_267 = arith.constant dense<0xFF800000> : vector<64xf32>
    %reduce_max3A_268 = vector.multi_reduction <maximumf>, %select_n3A_266, %reduce_max3A_267 [1] : vector<64x16xf32> to vector<64xf32>
    %broadcast_in_dim3A_269 = vector.shape_cast %reduce_max3A_268 : vector<64xf32> to vector<64x1xf32>
    %sub3A_270 = vector.broadcast %broadcast_in_dim3A_269 : vector<64x1xf32> to vector<64x16xf32>
    %sub3A_271 = arith.subf %select_n3A_266, %sub3A_270 : vector<64x16xf32>
    %exp3A_272 = math.exp %sub3A_271 : vector<64x16xf32>
    %reduce_sum3A_273 = arith.constant dense<0.000000e+00> : vector<64xf32>
    %reduce_sum3A_274 = vector.multi_reduction <add>, %exp3A_272, %reduce_sum3A_273 [1] : vector<64x16xf32> to vector<64xf32>
    %broadcast_in_dim3A_275 = vector.shape_cast %reduce_sum3A_274 : vector<64xf32> to vector<64x1xf32>
    %div3A_276 = vector.broadcast %broadcast_in_dim3A_275 : vector<64x1xf32> to vector<64x16xf32>
    %div3A_277 = arith.divf %exp3A_272, %div3A_276 : vector<64x16xf32>
    %slice3A_278 = vector.extract_strided_slice %dot_general3A_199 {offsets = [48, 0], sizes = [16, 1024], strides = [1, 1]} : vector<64x1024xf32> to vector<16x1024xf32>
    %dot_general3A_279 = arith.constant dense<0.000000e+00> : vector<64x1024xf32>
    %dot_general3A_280 = tpu.matmul %div3A_277, %slice3A_278, %dot_general3A_279 {dimension_numbers = #tpu.dot_dimension_numbers<[1], [0], [0], [1], [0, 0, 1, 1], [], []>, transpose_lhs_hint = false} : vector<64x16xf32>, vector<16x1024xf32>, vector<64x1024xf32> -> vector<64x1024xf32>
    %concatenate3A_281 = tpu.concatenate %dot_general3A_226, %dot_general3A_244, %dot_general3A_262, %dot_general3A_280 in 0 : vector<64x1024xf32>, vector<64x1024xf32>, vector<64x1024xf32>, vector<64x1024xf32> -> vector<256x1024xf32>
    %get3A_282 = arith.constant 0 : index
    %get3A_283 = arith.constant 0 : index
    %get3A_284 = vector.load %arg8[%get3A_282, %get3A_283] : memref<1024x1024xf32, #tpu.memory_space<vmem>>, vector<1024x1024xf32>
    %dot_general3A_285 = arith.constant dense<0.000000e+00> : vector<256x1024xf32>
    %dot_general3A_286 = tpu.matmul %concatenate3A_281, %get3A_284, %dot_general3A_285 {dimension_numbers = #tpu.dot_dimension_numbers<[1], [1], [0], [0], [0, 0, 1, 0], [], []>, transpose_lhs_hint = false} : vector<256x1024xf32>, vector<1024x1024xf32>, vector<256x1024xf32> -> vector<256x1024xf32>
    %reshape3A = vector.shape_cast %dot_general3A_286 : vector<256x1024xf32> to vector<4x64x1024xf32>
    %swap3A = arith.constant 0 : index
    %swap3A_287 = arith.constant 0 : index
    %swap3A_288 = arith.constant 0 : index
    %swap3A_289 = vector.load %arg9[%swap3A, %swap3A_287, %swap3A_288] : memref<4x64x1024xf32, #tpu.memory_space<vmem>>, vector<4x64x1024xf32>
    tpu.vector_store %arg9[%swap3A, %swap3A_287, %swap3A_288], %reshape3A {strides = array<i32>} : memref<4x64x1024xf32, #tpu.memory_space<vmem>>, vector<4x64x1024xf32>,
    return
  }
}

</mosaic_0001>

<sc_bundles>
// kernel: kernel.5.cloned.1.call-start
scs
__scs_entry_jumppad:
0x0: {  	(pc) =	sbr.rel $0x88, $3  }
0x1: {  	(tag) =	ssettag $0x0;
	lr =	simm.s32 $0x1  }
0x2: {  	[smem:$0x3F9A] =	sst lr;
	_ =	strace $0xD0000000  }
0x3: {  	_ = 	snop  }
0x4: {  	_ = 	snop  }
0x5: {  	_ = 	snop  }
0x6: {  	_ = 	snop  }
0x7: {  	_ = 	snop  }
__scs_overlays_trampoline_lowered:
0x8: {  	[smem:$0x3FA9] =	sst s0  }
0x9: {  	[smem:$0x3FAA] =	sst s1  }
0xa: {  	[smem:$0x3FAB] =	sst s2  }
0xb: {  	[smem:$0x3FAC] =	sst s3  }
0xc: {  	[smem:$0x3FAD] =	sst s4  }
0xd: {  	[smem:$0x3FAE] =	sst s5  }
0xe: {  	[smem:$0x3FAF] =	sst s6  }
0xf: {  	[smem:$0x3FB0] =	sst s7  }
0x10: {  	[smem:$0x3FB1] =	sst s8  }
0x11: {  	[smem:$0x3FB2] =	sst s9;
	s0 =	simm.s32 @!p0 $0x0  }
0x12: {  	s1 =	sld [smem:$0x3F98];
	s0 =	simm.s32 @p0 $0x1  }
0x13: {  	[smem:$0x3FB3] =	sst s0;
	s0 =	simm.s32 @!p1 $0x0  }
0x14: {  	s2 =	sld [smem:$0x3F97];
	s0 =	simm.s32 @p1 $0x1  }
0x15: {  	[smem:$0x3FB4] =	sst s0;
	s0 =	simm.s32 @!p2 $0x0  }
0x16: {  	s3 =	sld [smem:$0x3FDB];
	s0 =	simm.s32 @p2 $0x1  }
0x17: {  	s4 =	simm.s32 $0x1BF5;
	[smem:$0x3FB6] =	sst s0  }
0x18: {  	s0 =	sld [smem:$0x3F99];
	_ =	swait.ge [sflag:s4], $0x0  }
0x19: {  	s7 =	sld [smem:$0x3F9A]  }
0x1a: {  	s8 =	sadd.s32 $0xFFFFE003, lr  }
0x1b: {  	s9 =	sadd.s32 $0xFFFFFEF7, lr;
	s5 =	simm.s32 $0xFFFFFFFF;
	p2 =	slt.u32 s8, $0xFFFFF086  }
0x1c: {  	p1 =	slt.u32 s9, $0xF7A;
	s5 =	simm.s32 @!p2 $0x0  }
0x1d: {  	s5 =	simm.s32 @p1 $0x1;
	p0 =	seq.s32 s7, s2  }
0x1e: {  	s7 =	smul.u32 @!p0 $0xF7A, s2;
	p2 =	seq.s32 @!p0 s5, $0x0  }
0x1f: {  	s9 =	smul.u32 $0xF7A, s1;
	s8 =	simm.s32 @!p0 $0x1BF5;
	p2 =	por !p2, p0  }
0x20: {  	[sflag:s8] =	ssyncset.s32 @!p0 $0xFFFFF086;
	s6 =	sadd.s32 @!p0 s3, s7;
	s7 =	simm.s32 @!p0 $0x108  }
0x21: {  	s3 =	sadd.s32 s3, s9;
	s6 =	sadd.s32 @!p0 $0x88, s6;
	s7 =	simm.s32 @p2 $0x1082  }
0x22: {  	[simem:s7], [sflag:s8] =	dma.local @!p0 [hbm:s6], $0xF7A  }
0x23: {  	s9 =	sor.u32 $0xD0000000, s2;
	s6 =	simm.s32 $0x108;
	_ =	swait.ge @!p0 [sflag:s8], $0x0  }
0x24: {  	s3 =	sadd.s32 $0x88, s3;
	s6 =	simm.s32 @!p1 $0x1082;
	[sflag:s4] =	ssyncset.s32 $0xFFFFF086  }
0x25: {  	[simem:s6], [sflag:s4] =	dma.local [hbm:s3], $0xF7A  }
0x26: {  	[smem:$0x3F9A] =	sst s1;
	(tag) =	ssettag s2;
	_ =	strace s9  }
0x27: {  	s1 =	sld [smem:$0x3FAA]  }
0x28: {  	s2 =	sld [smem:$0x3FAB]  }
0x29: {  	s4 =	sld [smem:$0x3FAD]  }
0x2a: {  	p0 =	seq.s32 s5, $0x0;
	s5 =	sld [smem:$0x3FAE]  }
0x2b: {  	s6 =	sld [smem:$0x3FAF]  }
0x2c: {  	s7 =	sld [smem:$0x3FB0]  }
0x2d: {  	s3 =	simm.s32 $0x108;
	s8 =	sld [smem:$0x3FB1]  }
0x2e: {  	s3 =	simm.s32 @!p0 $0x1082;
	s9 =	sld [smem:$0x3FB2]  }
0x2f: {  	lr =	sadd.s32 s0, s3;
	s0 =	sld [smem:$0x3FA9]  }
0x30: {  	s3 =	sld [smem:$0x3FAC]  }
0x31: {  	[smem:$0x3FB5] =	sst s10  }
0x32: {  	s10 =	sld [smem:$0x3FB3];
	_ =	sdelay $0x3  }
0x33: {  	p0 =	seq.s32 s10, $0x1;
	s10 =	sld [smem:$0x3FB5];
	_ =	sdelay $0x3  }
0x34: {  	[smem:$0x3FB5] =	sst s10  }
0x35: {  	s10 =	sld [smem:$0x3FB4];
	_ =	sdelay $0x3  }
0x36: {  	p1 =	seq.s32 s10, $0x1;
	s10 =	sld [smem:$0x3FB5];
	_ =	sdelay $0x3  }
0x37: {  	[smem:$0x3FB5] =	sst s10  }
0x38: {  	s10 =	sld [smem:$0x3FB6]  }
0x39: {  	_ = 	snop;
	(pc) =	sbr.ind lr, $3  }
0x3a: {  	_ = 	snop  }
0x3b: {  	_ = 	snop  }
0x3c: {  	p2 =	seq.s32 s10, $0x1;
	s10 =	sld [smem:$0x3FB5]  }
0x3d: {  	_ =	shalt  }
0x3e: {  	_ =	shalt  }
0x3f: {  	_ =	shalt  }
0x40: {  	_ =	shalt  }
0x41: {  	_ =	shalt  }
0x42: {  	_ =	shalt  }
0x43: {  	_ =	shalt  }
0x44: {  	_ =	shalt  }
0x45: {  	_ =	shalt  }
0x46: {  	_ =	shalt  }
0x47: {  	_ =	shalt  }
0x48: {  	_ =	shalt  }
0x49: {  	_ =	shalt  }
0x4a: {  	_ =	shalt  }
0x4b: {  	_ =	shalt  }
0x4c: {  	_ =	shalt  }
0x4d: {  	_ =	shalt  }
0x4e: {  	_ =	shalt  }
0x4f: {  	_ =	shalt  }
0x50: {  	_ =	shalt  }
0x51: {  	_ =	shalt  }
0x52: {  	_ =	shalt  }
0x53: {  	_ =	shalt  }
0x54: {  	_ =	shalt  }
0x55: {  	_ =	shalt  }
0x56: {  	_ =	shalt  }
0x57: {  	_ =	shalt  }
0x58: {  	_ =	shalt  }
0x59: {  	_ =	shalt  }
0x5a: {  	_ =	shalt  }
0x5b: {  	_ =	shalt  }
0x5c: {  	_ =	shalt  }
0x5d: {  	_ =	shalt  }
0x5e: {  	_ =	shalt  }
0x5f: {  	_ =	shalt  }
0x60: {  	_ =	shalt  }
0x61: {  	_ =	shalt  }
0x62: {  	_ =	shalt  }
0x63: {  	_ =	shalt  }
0x64: {  	_ =	shalt  }
0x65: {  	_ =	shalt  }
0x66: {  	_ =	shalt  }
0x67: {  	_ =	shalt  }
0x68: {  	_ =	shalt  }
0x69: {  	_ =	shalt  }
0x6a: {  	_ =	shalt  }
0x6b: {  	_ =	shalt  }
0x6c: {  	_ =	shalt  }
0x6d: {  	_ =	shalt  }
0x6e: {  	_ =	shalt  }
0x6f: {  	_ =	shalt  }
0x70: {  	_ =	shalt  }
0x71: {  	_ =	shalt  }
0x72: {  	_ =	shalt  }
0x73: {  	_ =	shalt  }
0x74: {  	_ =	shalt  }
0x75: {  	_ =	shalt  }
0x76: {  	_ =	shalt  }
0x77: {  	_ =	shalt  }
0x78: {  	_ =	shalt  }
0x79: {  	_ =	shalt  }
0x7a: {  	_ =	shalt  }
0x7b: {  	_ =	shalt  }
0x7c: {  	_ =	shalt  }
0x7d: {  	_ =	shalt  }
0x7e: {  	_ =	shalt  }
0x7f: {  	_ =	shalt  }
0x80: {  	_ =	shalt  }
0x81: {  	_ =	shalt  }
0x82: {  	_ =	shalt  }
0x83: {  	_ =	shalt  }
0x84: {  	_ =	shalt  }
0x85: {  	_ =	shalt  }
0x86: {  	_ =	shalt  }
0x87: {  	_ =	shalt  }
.Lfunc_end0:
.L_simem_size_0:
called_computation_lowered:
.L_overlay_start_0:
0x88: {  	s0 =	sld [smem:$0x3FD9]  }
0x89: {  	s1 =	sld [smem:$0x3FFE];
	_ =	sdelay $0x3  }
0x8a: {  	s0 =	sadd.s32 s1, s0  }
0x8b: {  	[smem:$0x3FC1] =	sst s0  }
0x8c: {  	_ = 	snop  }
0x8d: {  	s0 =	sld [smem:$0x3FD0];
	(tm) =	ssettm $0x1  }
0x8e: {  	s16 =	sld [smem:$0x3FFB];
	_ =	sdelay $0x3  }
0x8f: {  	_ =	strace s16  }
0x90: {  	s1 =	sld [smem:$0x3FFC];
	_ =	sdelay $0x3  }
0x91: {  	_ =	strace s1  }
0x92: {  	s1 =	sld [smem:$0x3FFD];
	_ =	sdelay $0x3  }
0x93: {  	_ =	strace s1  }
0x94: {  	_ =	strace $0x8FFFFFFF  }
0x95: {  	s17 =	sld [smem:$0x3FDB];
	_ =	sdelay $0x1  }
0x96: {  	s2 =	simm.s32 $_scs_section_size  }
0x97: {  	s3 =	simm.s32 $_size__tile_overlayer_lowered;
	s4 =	simm.s32 $_tile_overlayer_lowered  }
0x98: {  	s20 =	simm.s32 $0x1BFF;
	s19 =	sshll.u32 s4, $0x1;
	s1 =	sadd.s32 s2, s17  }
0x99: {  	s5 =	simm.s32 $0x0;
	s18 =	sshll.u32 s3, $0x1;
	s3 =	sadd.s32 s19, s1  }
0x9a: {  	[timem:s5], [sflag:s20] =	dma.local [hbm:s3], s18  }
0x9b: {  	_ =	swait.ge [sflag:s20], s18  }
0x9c: {  	s2 =	ssub.s32 $0x0, s18;
	[sflag:s20] =	ssyncset.done $0x0  }
0x9d: {  	[sflag:s20] =	ssyncadd.s32 s2;
	_ =	sdelay $0x1  }
0x9e: {  	s21 =	simm.s32 $0x1B8B  }
0x9f: {  	_ =	swait.ge [sflag:s21], $0x1  }
0xa0: {  	[sflag:s21] =	ssyncset.done $0x0  }
0xa1: {  	s23 =	simm.s32 $0x1B8E;
	s22 =	sld [smem:$0x3FFE];
	[sflag:s21] =	ssyncadd.s32 $0xFFFFFFFF  }
0xa2: {  	s24 =	simm.s32 $execute0_lowered;
	[smem:$0x3FD2] =	sst s23  }
0xa3: {  	s3 =	sshll.u32 s24, $0x1;
	_ =	strace $0x80000046;
	[dreg:$0x1] =	wrdreg $0xFFFFFFFF  }
0xa4: {  	s25 =	simm.s32 $_size_execute0_lowered;
	s1 =	sadd.s32 s1, s3;
	[dreg:$0x0] =	wrdreg $0x0  }
0xa5: {  	s3 =	sshll.u32 s25, $0x1;
	[dreg:$0x2] =	wrdreg s1  }
0xa6: {  	[dreg:$0x3] =	wrdreg s3  }
0xa7: {  	[dreg:$0x4] =	wrdreg $0xC0  }
0xa8: {  	_ =	task [dreg:s5], $0x5FFFF  }
0xa9: {  	[dreg:$0x1] =	wrdreg $0xFFFFFFFF  }
0xaa: {  	[dreg:$0x0] =	wrdreg $0x60  }
0xab: {  	[dreg:$0x2] =	wrdreg s0  }
0xac: {  	[dreg:$0x3] =	wrdreg s22  }
0xad: {  	[dreg:$0x4] =	wrdreg $0x9  }
0xae: {  	_ =	task.clear_ibuf [dreg:s5], $0x5FFFF;
	_ =	strace $0x90000046  }
0xaf: {  	s26 =	simm.s32 $0x9;
	_ =	strace $0x80000048  }
0xb0: {  	_ =	swait.ge [sflag:s26], $0x1  }
0xb1: {  	[sflag:s26] =	ssyncadd.s32 $0xFFFFFFFF  }
0xb2: {  	_ =	strace $0x90000048  }
0xb3: {  	_ =	sfence  }
0xb4: {  	s28 =	sld [smem:$0x0];
	_ =	sdelay $0x1  }
0xb5: {  	s29 =	srdreg.scid  }
0xb6: {  	s30 =	sshll.u32 s29, $0xD;
	s31 =	sshrl.u32 s29, $0x2  }
0xb7: {  	s2 =	sand.u32 $0x4000, s30;
	s1 =	sand.u32 $0x1, s29;
	s0 =	sadd.s32 s31, s28  }
0xb8: {  	s1 =	sor.u32 s2, s1;
	s0 =	sshll.u32 s0, $0x11  }
0xb9: {  	s0 =	sor.u32 s0, s1  }
0xba: {  	s0 =	sadd.s32 $0x8F2B, s0  }
0xbb: {  	[sflag:s0] =	ssyncadd.remote.s32 $0x1  }
0xbc: {  	_ =	sfence.sel $0xFFFF  }
0xbd: {  	[dreg:$0x0] =	wrdreg $0xFFFFFFFF;
	(pc) =	sbr.abs _section_cstart, $3  }
0xbe: {  	[dreg:$0x1] =	wrdreg $0xFFFFFFFF  }
0xbf: {  	_ =	task.clear_ibuf [dreg:s5], $0x2FFFF;
	_ =	strace $0x9FFFFFFF  }
0xc0: {  	(tm) =	ssettm $0x7FFFFFFF  }
0xc1: {  	_ =	shalt  }
tec
execute0_lowered:
.L_overlay_start_1:
0x0: {  	(tag) =	ssettag $0x1  }
0x1: {  	s1 =	stileid.u32  }
0x2: {  	p0 =	sgt.u32 s1, $0x3  }
.Ltmp0:
0x3: {  	_ = 	snop;
	(pc) =	sbr.rel @p0 .LBB2_2-.Ltmp0, $4  }
0x4: {  	s6 =	rddreg [dreg:$0x0]  }
0x5: {  	s3 =	rddreg [dreg:$0x1];
	s2 =	simm.s32 $0x0  }
0x6: {  	[smem:$0x7FF] =	sst s2  }
0x7: {  	s0 =	rddreg [dreg:$0x2];
	_ =	strace $0x80000047  }
0x8: {  	s4 =	sadd.s32 $0xA200, s3;
	s5 =	sshll.u32 s1, $0xA  }
0x9: {  	s4 =	sadd.s32 s4, s5  }
0xa: {  	[tilespmem:s2], [sflag:$0x3] =	stream.linear.gather [hbm4b:s4+s2], $0x2000, $0x38;
	[tilespmem:$0x8080] =	vst v63  }
0xb: {  	s4 =	simm.s32 $0x3  }
0xc: {  	v0 =	vlaneseq.u32;
	_ =	swait.ge [sflag:s4], $0x2000  }
0xd: {  	s7 =	sadd.s32 $0xB200, s3;
	v1 =	vmul.u32 $0x80, v0;
	[sflag:s4] =	ssyncset.done $0x0  }
0xe: {  	s28 =	simm.s32 $0x2000;
	s8 =	sadd.s32 s7, s5;
	[sflag:s4] =	ssyncadd.s32 $0xFFFFE000  }
0xf: {  	v2 =	vor.u32 $0x800, v1;
	[tilespmem:s28], [sflag:$0x3] =	stream.linear.gather [hbm4b:s8+s2], $0x2000, $0x38;
	[tilespmem:$0x8080] =	vst v63  }
0x10: {  	v3 =	vor.u32 $0x1000, v1;
	_ =	swait.ge [sflag:s4], $0x2000  }
0x11: {  	[sflag:s4] =	ssyncset.done $0x0  }
0x12: {  	[sflag:s4] =	ssyncadd.s32 $0xFFFFE000  }
0x13: {  	v6 =	vor.u32 $0x1800, v1;
	v4 =	vld.idx.msk [tilespmem:v1+s2+$0x0], $0xffff  }
0x14: {  	v5 =	vld.idx.msk [tilespmem:v2+s2+$0x0], $0xffff  }
0x15: {  	v7 =	vld.idx.msk [tilespmem:v3+s2+$0x0], $0xffff;
	_ =	sdelay $0x2  }
0x16: {  	v12 =	vld.idx.msk [tilespmem:v6+s2+$0x0], $0xffff  }
0x17: {  	v8 =	vshrl.u32 v4, $0x1;
	v9 =	vmul.f32 $5.000000000e-01, v4  }
0x18: {  	v10 =	vshrl.u32 v5, $0x1;
	v11 =	vmul.f32 $5.000000000e-01, v5;
	v15 =	vshrl.u32 v7, $0x1  }
0x19: {  	v16 =	vmul.f32 $5.000000000e-01, v7;
	v8 =	vsub.s32 $0x5F3759DF, v8;
	v10 =	vsub.s32 $0x5F3759DF, v10  }
0x1a: {  	v15 =	vsub.s32 $0x5F3759DF, v15;
	v13 =	vmul.f32 v8, v9;
	v14 =	vmul.f32 v10, v11  }
0x1b: {  	v18 =	vshrl.u32 v12, $0x1;
	v19 =	vmul.f32 $5.000000000e-01, v12;
	v17 =	vmul.f32 v15, v16  }
0x1c: {  	v18 =	vsub.s32 $0x5F3759DF, v18;
	v13 =	vmul.f32 v8, v13;
	v14 =	vmul.f32 v10, v14  }
0x1d: {  	v20 =	vmul.f32 v18, v19;
	v17 =	vmul.f32 v15, v17  }
0x1e: {  	v13 =	vsub.f32 $1.500000000e+00, v13;
	v14 =	vsub.f32 $1.500000000e+00, v14  }
0x1f: {  	v26 =	vmul.f32 v18, v20;
	v25 =	vsub.f32 $1.500000000e+00, v17  }
0x20: {  	v8 =	vmul.f32 v8, v13;
	v10 =	vmul.f32 v10, v14  }
0x21: {  	v13 =	vmul.f32 v15, v25;
	v14 =	vsub.f32 $1.500000000e+00, v26  }
0x22: {  	v27 =	vmul.f32 v8, v9;
	v28 =	vmul.f32 v10, v11  }
0x23: {  	v31 =	vmul.f32 v13, v16;
	v14 =	vmul.f32 v18, v14  }
0x24: {  	v29 =	vmul.f32 v27, v8;
	v30 =	vmul.f32 v28, v10  }
0x25: {  	v32 =	vmul.f32 v31, v13;
	v33 =	vmul.f32 v14, v19  }
0x26: {  	v15 =	vsub.f32 $1.500000000e+00, v29;
	v17 =	vsub.f32 $1.500000000e+00, v30  }
0x27: {  	v34 =	vsub.f32 $1.500000000e+00, v32;
	v35 =	vmul.f32 v33, v14  }
0x28: {  	v8 =	vmul.f32 v15, v8;
	v10 =	vmul.f32 v17, v10  }
0x29: {  	v13 =	vmul.f32 v34, v13;
	v38 =	vsub.f32 $1.500000000e+00, v35  }
0x2a: {  	v36 =	vmul.f32 v8, v9;
	v37 =	vmul.f32 v10, v11  }
0x2b: {  	v41 =	vmul.f32 v13, v16;
	v14 =	vmul.f32 v38, v14  }
0x2c: {  	v39 =	vmul.f32 v36, v8;
	v40 =	vmul.f32 v37, v10  }
0x2d: {  	v44 =	vmul.f32 v41, v13;
	v45 =	vmul.f32 v14, v19  }
0x2e: {  	v42 =	vsub.f32 $1.500000000e+00, v39;
	v43 =	vsub.f32 $1.500000000e+00, v40  }
0x2f: {  	v46 =	vsub.f32 $1.500000000e+00, v44;
	v47 =	vmul.f32 v45, v14  }
0x30: {  	v8 =	vmul.f32 v42, v8;
	v10 =	vmul.f32 v43, v10  }
0x31: {  	v13 =	vmul.f32 v46, v13;
	v50 =	vsub.f32 $1.500000000e+00, v47  }
0x32: {  	v48 =	vmul.f32 v8, v9;
	v49 =	vmul.f32 v10, v11  }
0x33: {  	v53 =	vmul.f32 v13, v16;
	v14 =	vmul.f32 v50, v14  }
0x34: {  	v51 =	vmul.f32 v48, v8;
	v52 =	vmul.f32 v49, v10  }
0x35: {  	v56 =	vmul.f32 v53, v13;
	v57 =	vmul.f32 v14, v19  }
0x36: {  	v54 =	vsub.f32 $1.500000000e+00, v51;
	v55 =	vsub.f32 $1.500000000e+00, v52  }
0x37: {  	v58 =	vsub.f32 $1.500000000e+00, v56;
	v59 =	vmul.f32 v57, v14  }
0x38: {  	v8 =	vmul.f32 v54, v8;
	v10 =	vmul.f32 v55, v10  }
0x39: {  	v13 =	vmul.f32 v58, v13;
	v60 =	vsub.f32 $1.500000000e+00, v59  }
0x3a: {  	v9 =	vmul.f32 v8, v9;
	v11 =	vmul.f32 v10, v11  }
0x3b: {  	v16 =	vmul.f32 v13, v16;
	v14 =	vmul.f32 v60, v14  }
0x3c: {  	v9 =	vmul.f32 v9, v8;
	v11 =	vmul.f32 v11, v10  }
0x3d: {  	v61 =	vmul.f32 v16, v13;
	v62 =	vmul.f32 v14, v19  }
0x3e: {  	v9 =	vsub.f32 $1.500000000e+00, v9;
	v11 =	vsub.f32 $1.500000000e+00, v11  }
0x3f: {  	v17 =	vsub.f32 $1.500000000e+00, v61;
	v18 =	vmul.f32 v62, v14  }
0x40: {  	v8 =	vmul.f32 v9, v8;
	v63 =	vmul.f32 v11, v10  }
0x41: {  	v19 =	vmul.f32 v17, v13  }
0x42: {  	v20 =	vsub.f32 $1.500000000e+00, v18;
	v4 =	vmul.f32 v8, v4;
	v5 =	vmul.f32 v63, v5;
	_ =	sdelay $0x1  }
0x43: {  	v7 =	vmul.f32 v19, v7;
	v21 =	vmul.f32 v20, v14;
	v22 =	vadd.f32 v5, v4;
	_ =	sdelay $0x1  }
0x44: {  	v8 =	vmul.f32 v21, v12;
	v9 =	vadd.f32 v7, v22;
	_ =	sdelay $0x1  }
0x45: {  	v9 =	vadd.f32 v8, v9;
	_ =	sdelay $0x1  }
0x46: {  	(xrf2) =	vadd.scan.msk.f32 $0xffff, v9;
	_ =	sdelay $0x9  }
0x47: {  	v9, _, _ =	vpop (xrf2)  }
0x48: {  	(v2sf) =	vpush v9, $0xF;
	_ =	sdelay $0xe  }
0x49: {  	v1 =	vld.idx.msk [tilespmem:v1+s28+$0x0], $0xffff;
	s29 =	spop (v2sf)  }
0x4a: {  	v2 =	vld.idx.msk [tilespmem:v2+s28+$0x0], $0xffff;
	s8 =	smul.f32 $1.562500000e-02, s29;
	_ =	sdelay $0x1  }
0x4b: {  	v3 =	vld.idx.msk [tilespmem:v3+s28+$0x0], $0xffff;
	v23 =	vmov s8  }
0x4c: {  	v4 =	vsub.f32 v4, v23  }
0x4d: {  	v6 =	vld.idx.msk [tilespmem:v6+s28+$0x0], $0xffff;
	v5 =	vsub.f32 v5, v23  }
0x4e: {  	v25 =	vadd.f32 v2, v1;
	v7 =	vsub.f32 v7, v23;
	v24 =	vmul.f32 v4, v4  }
0x4f: {  	v8 =	vsub.f32 v8, v23;
	v26 =	vmul.f32 v5, v5  }
0x50: {  	v11 =	vadd.f32 v3, v25;
	v27 =	vmul.f32 v7, v7;
	(xrf2) =	vadd.scan.msk.f32 $0xffff, v24  }
0x51: {  	v28 =	vmul.f32 v8, v8;
	(xrf2) =	vadd.scan.msk.f32 $0xffff, v26  }
0x52: {  	v29 =	vadd.f32 v6, v11;
	(xrf2) =	vadd.scan.msk.f32 $0xffff, v27  }
0x53: {  	(xrf2) =	vadd.scan.msk.f32 $0xffff, v28  }
0x54: {  	(xrf2) =	vadd.scan.msk.f32 $0xffff, v29;
	_ =	sdelay $0x5  }
0x55: {  	v30, _, _ =	vpop (xrf2)  }
0x56: {  	(v2sf) =	vpush v30, $0xF;
	v31, _, _ =	vpop (xrf2)  }
0x57: {  	(v2sf) =	vpush v31, $0xF;
	v32, _, _ =	vpop (xrf2)  }
0x58: {  	(v2sf) =	vpush v32, $0xF;
	v33, _, _ =	vpop (xrf2)  }
0x59: {  	(v2sf) =	vpush v33, $0xF;
	v34, _, _ =	vpop (xrf2)  }
0x5a: {  	(v2sf) =	vpush v34, $0xF;
	_ =	sdelay $0xa  }
0x5b: {  	s30 =	spop (v2sf)  }
0x5c: {  	s31 =	spop (v2sf)  }
0x5d: {  	s9 =	spop (v2sf)  }
0x5e: {  	s10 =	spop (v2sf)  }
0x5f: {  	s11 =	spop (v2sf)  }
0x60: {  	s11 =	smul.f32 $1.562500000e-02, s11;
	_ =	sdelay $0x1  }
0x61: {  	v35 =	vmov s11  }
0x62: {  	v1 =	vsub.f32 v1, v35  }
0x63: {  	v2 =	vsub.f32 v2, v35  }
0x64: {  	v36 =	vmul.f32 v1, v1  }
0x65: {  	v3 =	vsub.f32 v3, v35;
	v37 =	vmul.f32 v2, v2  }
0x66: {  	(xrf2) =	vadd.scan.msk.f32 $0xffff, v36  }
0x67: {  	v6 =	vsub.f32 v6, v35;
	v38 =	vmul.f32 v3, v3;
	(xrf2) =	vadd.scan.msk.f32 $0xffff, v37;
	_ =	sdelay $0x1  }
0x68: {  	v39 =	vmul.f32 v6, v6;
	(xrf2) =	vadd.scan.msk.f32 $0xffff, v38;
	_ =	sdelay $0x1  }
0x69: {  	(xrf2) =	vadd.scan.msk.f32 $0xffff, v39;
	_ =	sdelay $0x4  }
0x6a: {  	v40, _, _ =	vpop (xrf2)  }
0x6b: {  	v41, _, _ =	vpop (xrf2);
	(v2sf) =	vpush v40, $0xF  }
0x6c: {  	(v2sf) =	vpush v41, $0xF  }
0x6d: {  	v42, _, _ =	vpop (xrf2)  }
0x6e: {  	(v2sf) =	vpush v42, $0xF  }
0x6f: {  	v43, _, _ =	vpop (xrf2)  }
0x70: {  	(v2sf) =	vpush v43, $0xF;
	_ =	sdelay $0x8  }
0x71: {  	s7 =	sadd.f32 s31, s30  }
0x72: {  	s12 =	spop (v2sf)  }
0x73: {  	s7 =	sadd.f32 s7, s9;
	s13 =	spop (v2sf)  }
0x74: {  	s8 =	sadd.f32 s13, s12  }
0x75: {  	s7 =	sadd.f32 s7, s10;
	s14 =	spop (v2sf)  }
0x76: {  	s8 =	sadd.f32 s8, s14  }
0x77: {  	s15 =	spop (v2sf)  }
0x78: {  	s7 =	smul.f32 $1.562500000e-02, s7;
	s8 =	sadd.f32 s8, s15  }
0x79: {  	_ = 	snop  }
0x7a: {  	v44 =	vmov s7;
	s16 =	smul.f32 $1.562500000e-02, s8  }
0x7b: {  	v9 =	vadd.f32 $0.0e+00, v44  }
0x7c: {  	v45 =	vmov s16  }
0x7d: {  	v9 =	vbroadcast v9, $0x0;
	v10 =	vadd.f32 $0.0e+00, v45;
	_ =	sdelay $0x1  }
0x7e: {  	v46 =	vshrl.u32 v9, $0x1;
	v47 =	vmul.f32 $5.000000000e-01, v9;
	v10 =	vbroadcast v10, $0x0  }
0x7f: {  	v11 =	vsub.s32 $0x5F3759DF, v46  }
0x80: {  	v48 =	vmul.f32 v11, v47;
	v49 =	vshrl.u32 v10, $0x1;
	v50 =	vmul.f32 $5.000000000e-01, v10  }
0x81: {  	v14 =	vsub.s32 $0x5F3759DF, v49  }
0x82: {  	v13 =	vmul.f32 v11, v48;
	v51 =	vmul.f32 v14, v50;
	_ =	sdelay $0x1  }
0x83: {  	v13 =	vsub.f32 $1.500000000e+00, v13;
	v16 =	vmul.f32 v14, v51;
	_ =	sdelay $0x1  }
0x84: {  	v11 =	vmul.f32 v11, v13;
	v52 =	vsub.f32 $1.500000000e+00, v16;
	_ =	sdelay $0x1  }
0x85: {  	v53 =	vmul.f32 v11, v47;
	v13 =	vmul.f32 v14, v52;
	_ =	sdelay $0x1  }
0x86: {  	v54 =	vmul.f32 v53, v11;
	v55 =	vmul.f32 v13, v50;
	_ =	sdelay $0x1  }
0x87: {  	v14 =	vsub.f32 $1.500000000e+00, v54;
	v16 =	vmul.f32 v55, v13;
	_ =	sdelay $0x1  }
0x88: {  	v11 =	vmul.f32 v14, v11;
	v56 =	vsub.f32 $1.500000000e+00, v16;
	_ =	sdelay $0x1  }
0x89: {  	v57 =	vmul.f32 v11, v47;
	v13 =	vmul.f32 v56, v13;
	_ =	sdelay $0x1  }
0x8a: {  	v58 =	vmul.f32 v57, v11;
	v59 =	vmul.f32 v13, v50;
	_ =	sdelay $0x1  }
0x8b: {  	v14 =	vsub.f32 $1.500000000e+00, v58;
	v16 =	vmul.f32 v59, v13;
	_ =	sdelay $0x1  }
0x8c: {  	v11 =	vmul.f32 v14, v11;
	v60 =	vsub.f32 $1.500000000e+00, v16;
	_ =	sdelay $0x1  }
0x8d: {  	v61 =	vmul.f32 v11, v47;
	v13 =	vmul.f32 v60, v13;
	_ =	sdelay $0x1  }
0x8e: {  	v62 =	vmul.f32 v61, v11;
	v63 =	vmul.f32 v13, v50;
	_ =	sdelay $0x1  }
0x8f: {  	v14 =	vsub.f32 $1.500000000e+00, v62;
	v16 =	vmul.f32 v63, v13;
	_ =	sdelay $0x1  }
0x90: {  	v11 =	vmul.f32 v14, v11;
	v16 =	vsub.f32 $1.500000000e+00, v16;
	_ =	sdelay $0x1  }
0x91: {  	v12 =	vmul.f32 v11, v47;
	v13 =	vmul.f32 v16, v13;
	_ =	sdelay $0x1  }
0x92: {  	v12 =	vmul.f32 v12, v11;
	v14 =	vmul.f32 v13, v50;
	_ =	sdelay $0x1  }
0x93: {  	v12 =	vsub.f32 $1.500000000e+00, v12;
	v14 =	vmul.f32 v14, v13;
	_ =	sdelay $0x1  }
0x94: {  	v11 =	vmul.f32 v12, v11;
	v17 =	vsub.f32 $1.500000000e+00, v14;
	_ =	sdelay $0x1  }
0x95: {  	v9 =	vmul.f32 v11, v9;
	v18 =	vmul.f32 v17, v13;
	_ =	sdelay $0x1  }
0x96: {  	v9 =	vmax.f32 v9, $9.999999970e-07;
	v10 =	vmul.f32 v18, v10  }
0x97: {  	(erf) = vrcp.f32 v9  }
0x98: {  	v19 =	vmax.f32 v10, $9.999999970e-07  }
0x99: {  	(erf) = vrcp.f32 v19;
	_ =	sdelay $0x6  }
0x9a: {  	v20 =	vpop (erf)  }
0x9b: {  	v4 =	vmul.f32 v20, v4;
	v5 =	vmul.f32 v20, v5  }
0x9c: {  	v7 =	vmul.f32 v20, v7;
	v8 =	vmul.f32 v20, v8;
	v21 =	vpop (erf)  }
0x9d: {  	v1 =	vmul.f32 v21, v1;
	v2 =	vmul.f32 v21, v2  }
0x9e: {  	v3 =	vmul.f32 v21, v3;
	v6 =	vmul.f32 v21, v6  }
0x9f: {  	v1 =	vadd.f32 v4, v1;
	v22 =	vadd.f32 v5, v2  }
0xa0: {  	v23 =	vadd.f32 v7, v3;
	v8 =	vadd.f32 v8, v6;
	_ =	sdelay $0x1  }
0xa1: {  	v2 =	vmax.f32 v1, v22;
	v3 =	vmax.f32 v23, v8  }
0xa2: {  	v2 =	vmax.f32 v2, v3  }
0xa3: {  	(xrf0) =	vmax.scan.msk.f32 $0xffff, v2;
	_ =	sdelay $0x5  }
0xa4: {  	v2, _, _ =	vpop (xrf0)  }
0xa5: {  	v24 =	vbroadcast v2, $0xF;
	_ =	sdelay $0x1  }
0xa6: {  	v2 =	vor.u32 $0x80000030, v0;
	vm0 =	vge.f32 v8, v24  }
0xa7: {  	v3 =	vor.u32 $0x80000020, v0;
	vm1 =	vge.f32 v23, v24;
	v25 =	vnsel vm0, $0x80000040, v2  }
0xa8: {  	v5 =	vor.u32 $0x80000010, v0;
	vm4 =	vge.f32 v22, v24;
	v26 =	vsel vm1, v3, v25  }
0xa9: {  	v28 =	vor.u32 $0x80000000, v0;
	vm5 =	vge.f32 v1, v24;
	v27 =	vsel vm4, v5, v26  }
0xaa: {  	v4 =	vsel vm5, v28, v27  }
0xab: {  	(xrf0) =	vmin.scan.msk.u32 $0xffff, v4;
	_ =	sdelay $0x5  }
0xac: {  	v4, _, _ =	vpop (xrf0)  }
0xad: {  	(v2sf) =	vpush v4, $0xF;
	_ =	sdelay $0xe  }
0xae: {  	s17 =	spop (v2sf)  }
0xaf: {  	s7 =	sxor.u32 $0x80000000, s17  }
0xb0: {  	v29 =	vmov s7  }
0xb1: {  	v30 =	vimm.s32 $0x0;
	vm6 =	veq.s32 v29, v0  }
0xb2: {  	v32 =	vor.u32 $0x10, v0;
	v35 =	vimm.s32 $0x0;
	v4 =	vsel vm6, $0xFFFFFFFF, v30  }
0xb3: {  	v31 =	vsel vm6, $0xFF61B1E6, v1;
	v1 =	vor.u32 $0x30, v0;
	[tilespmem:$0x1FF20] =	vst v4;
	v4 =	vor.u32 $0x20, v0  }
0xb4: {  	vm2 =	veq.s32 v29, v32;
	vm8 =	veq.s32 v29, v1;
	vm7 =	veq.s32 v29, v4  }
0xb5: {  	v9 =	vsel vm2, $0xFF61B1E6, v22;
	v8 =	vsel vm8, $0xFF61B1E6, v8;
	v10 =	vsel vm7, $0xFF61B1E6, v23  }
0xb6: {  	v36 =	vmax.f32 v31, v9;
	v11 =	vsel vm8, $0xFFFFFFFF, v35;
	v37 =	vmax.f32 v10, v8  }
0xb7: {  	[tilespmem:$0x1FFD0] =	vst v11;
	v11 =	vmax.f32 v36, v37  }
0xb8: {  	(xrf0) =	vmax.scan.msk.f32 $0xffff, v11;
	_ =	sdelay $0x5  }
0xb9: {  	v11, _, _ =	vpop (xrf0)  }
0xba: {  	v11 =	vbroadcast v11, $0xF  }
0xbb: {  	v33 =	vimm.s32 $0x0  }
0xbc: {  	v34 =	vimm.s32 $0x0;
	v13 =	vsel vm2, $0xFFFFFFFF, v33;
	vm0 =	vge.f32 v8, v11  }
0xbd: {  	[tilespmem:$0x1FF50] =	vst v13;
	v13 =	vsel vm7, $0xFFFFFFFF, v34;
	vm1 =	vge.f32 v10, v11;
	v38 =	vnsel vm0, $0x80000040, v2  }
0xbe: {  	[tilespmem:$0x1FF80] =	vst v13;
	vm9 =	vge.f32 v9, v11;
	v13 =	vsel vm1, v3, v38  }
0xbf: {  	vm10 =	vge.f32 v31, v11;
	v39 =	vsel vm9, v5, v13  }
0xc0: {  	v11 =	vsel vm10, v28, v39  }
0xc1: {  	(xrf0) =	vmin.scan.msk.u32 $0xffff, v11;
	_ =	sdelay $0x5  }
0xc2: {  	v11, _, _ =	vpop (xrf0)  }
0xc3: {  	(v2sf) =	vpush v11, $0xF;
	_ =	sdelay $0xe  }
0xc4: {  	s18 =	spop (v2sf)  }
0xc5: {  	s7 =	sxor.u32 $0x80000000, s18  }
0xc6: {  	v40 =	vmov s7  }
0xc7: {  	v44 =	vimm.s32 $0x0;
	vm11 =	veq.s32 v40, v0;
	vm12 =	veq.s32 v40, v32  }
0xc8: {  	vm13 =	veq.s32 v40, v4;
	vm14 =	veq.s32 v40, v1;
	v12 =	vsel vm11, $0xFF61B1E6, v31  }
0xc9: {  	v9 =	vsel vm12, $0xFF61B1E6, v9;
	v10 =	vsel vm13, $0xFF61B1E6, v10;
	v8 =	vsel vm14, $0xFF61B1E6, v8  }
0xca: {  	v11 =	vsel vm14, $0xFFFFFFFF, v44;
	v45 =	vmax.f32 v12, v9;
	v46 =	vmax.f32 v10, v8  }
0xcb: {  	[tilespmem:$0x1FFC0] =	vst v11;
	v11 =	vmax.f32 v45, v46  }
0xcc: {  	(xrf0) =	vmax.scan.msk.f32 $0xffff, v11;
	_ =	sdelay $0x5  }
0xcd: {  	v11, _, _ =	vpop (xrf0)  }
0xce: {  	v41 =	vimm.s32 $0x0;
	v11 =	vbroadcast v11, $0xF  }
0xcf: {  	v42 =	vimm.s32 $0x0;
	v13 =	vsel vm11, $0xFFFFFFFF, v41  }
0xd0: {  	v43 =	vimm.s32 $0x0;
	[tilespmem:$0x1FF10] =	vst v13;
	v13 =	vsel vm12, $0xFFFFFFFF, v42;
	vm0 =	vge.f32 v8, v11  }
0xd1: {  	[tilespmem:$0x1FF40] =	vst v13;
	v13 =	vsel vm13, $0xFFFFFFFF, v43;
	vm1 =	vge.f32 v10, v11;
	v47 =	vnsel vm0, $0x80000040, v2  }
0xd2: {  	[tilespmem:$0x1FF60] =	vst v13;
	vm15 =	vge.f32 v9, v11;
	v13 =	vsel vm1, v3, v47  }
0xd3: {  	vm4 =	vge.f32 v12, v11;
	v48 =	vsel vm15, v5, v13  }
0xd4: {  	v11 =	vsel vm4, v28, v48  }
0xd5: {  	(xrf0) =	vmin.scan.msk.u32 $0xffff, v11;
	_ =	sdelay $0x5  }
0xd6: {  	v11, _, _ =	vpop (xrf0)  }
0xd7: {  	(v2sf) =	vpush v11, $0xF;
	_ =	sdelay $0xe  }
0xd8: {  	s19 =	spop (v2sf)  }
0xd9: {  	s7 =	sxor.u32 $0x80000000, s19  }
0xda: {  	v49 =	vmov s7  }
0xdb: {  	v53 =	vimm.s32 $0x0;
	vm5 =	veq.s32 v49, v0;
	vm6 =	veq.s32 v49, v32  }
0xdc: {  	vm7 =	veq.s32 v49, v4;
	vm8 =	veq.s32 v49, v1;
	v12 =	vsel vm5, $0xFF61B1E6, v12  }
0xdd: {  	v9 =	vsel vm6, $0xFF61B1E6, v9;
	v10 =	vsel vm7, $0xFF61B1E6, v10;
	v8 =	vsel vm8, $0xFF61B1E6, v8  }
0xde: {  	v11 =	vsel vm8, $0xFFFFFFFF, v53;
	v54 =	vmax.f32 v12, v9;
	v55 =	vmax.f32 v10, v8  }
0xdf: {  	[tilespmem:$0x1FFE0] =	vst v11;
	v11 =	vmax.f32 v54, v55  }
0xe0: {  	(xrf0) =	vmax.scan.msk.f32 $0xffff, v11;
	_ =	sdelay $0x5  }
0xe1: {  	v11, _, _ =	vpop (xrf0)  }
0xe2: {  	v50 =	vimm.s32 $0x0;
	v11 =	vbroadcast v11, $0xF  }
0xe3: {  	v51 =	vimm.s32 $0x0;
	v13 =	vsel vm5, $0xFFFFFFFF, v50  }
0xe4: {  	v52 =	vimm.s32 $0x0;
	[tilespmem:$0x1FF30] =	vst v13;
	v13 =	vsel vm6, $0xFFFFFFFF, v51;
	vm0 =	vge.f32 v8, v11  }
0xe5: {  	[tilespmem:$0x1FF70] =	vst v13;
	v13 =	vsel vm7, $0xFFFFFFFF, v52;
	vm1 =	vge.f32 v10, v11;
	v56 =	vnsel vm0, $0x80000040, v2  }
0xe6: {  	[tilespmem:$0x1FFA0] =	vst v13;
	vm9 =	vge.f32 v9, v11;
	v13 =	vsel vm1, v3, v56  }
0xe7: {  	vm10 =	vge.f32 v12, v11;
	v57 =	vsel vm9, v5, v13  }
0xe8: {  	v11 =	vsel vm10, v28, v57  }
0xe9: {  	(xrf0) =	vmin.scan.msk.u32 $0xffff, v11;
	_ =	sdelay $0x5  }
0xea: {  	v11, _, _ =	vpop (xrf0)  }
0xeb: {  	(v2sf) =	vpush v11, $0xF;
	_ =	sdelay $0xe  }
0xec: {  	s20 =	spop (v2sf)  }
0xed: {  	s7 =	sxor.u32 $0x80000000, s20  }
0xee: {  	v58 =	vmov s7  }
0xef: {  	v61 =	vimm.s32 $0x0;
	vm14 =	veq.s32 v58, v0;
	vm11 =	veq.s32 v58, v32  }
0xf0: {  	vm12 =	veq.s32 v58, v4;
	vm13 =	veq.s32 v58, v1;
	v12 =	vsel vm14, $0xFF61B1E6, v12  }
0xf1: {  	v9 =	vsel vm11, $0xFF61B1E6, v9;
	v10 =	vsel vm12, $0xFF61B1E6, v10;
	v8 =	vsel vm13, $0xFF61B1E6, v8  }
0xf2: {  	v11 =	vsel vm13, $0xFFFFFFFF, v61;
	v62 =	vmax.f32 v12, v9;
	v63 =	vmax.f32 v10, v8  }
0xf3: {  	[tilespmem:$0x1FFF0] =	vst v11;
	v11 =	vmax.f32 v62, v63  }
0xf4: {  	(xrf0) =	vmax.scan.msk.f32 $0xffff, v11;
	_ =	sdelay $0x5  }
0xf5: {  	v11, _, _ =	vpop (xrf0)  }
0xf6: {  	v11 =	vbroadcast v11, $0xF  }
0xf7: {  	v59 =	vimm.s32 $0x0  }
0xf8: {  	v60 =	vimm.s32 $0x0;
	v13 =	vsel vm11, $0xFFFFFFFF, v59;
	vm0 =	vge.f32 v8, v11  }
0xf9: {  	[tilespmem:$0x1FF90] =	vst v13;
	v13 =	vsel vm12, $0xFFFFFFFF, v60;
	vm15 =	vge.f32 v10, v11;
	v16 =	vnsel vm0, $0x80000040, v2  }
0xfa: {  	[tilespmem:$0x1FFB0] =	vst v13;
	vm4 =	vge.f32 v9, v11;
	v13 =	vsel vm15, v3, v16  }
0xfb: {  	vm5 =	vge.f32 v12, v11;
	v13 =	vsel vm4, v5, v13  }
0xfc: {  	v11 =	vsel vm5, v28, v13  }
0xfd: {  	(xrf0) =	vmin.scan.msk.u32 $0xffff, v11;
	_ =	sdelay $0x5  }
0xfe: {  	v11, _, _ =	vpop (xrf0)  }
0xff: {  	(v2sf) =	vpush v11, $0xF;
	_ =	sdelay $0xe  }
0x100: {  	s21 =	spop (v2sf)  }
0x101: {  	s7 =	sxor.u32 $0x80000000, s21  }
0x102: {  	v17 =	vmov s7  }
0x103: {  	vm9 =	veq.s32 v17, v0;
	vm11 =	veq.s32 v17, v32  }
0x104: {  	vm13 =	veq.s32 v17, v4;
	vm15 =	veq.s32 v17, v1;
	v12 =	vsel vm9, $0xFF61B1E6, v12  }
0x105: {  	v9 =	vsel vm11, $0xFF61B1E6, v9;
	v10 =	vsel vm13, $0xFF61B1E6, v10;
	v8 =	vsel vm15, $0xFF61B1E6, v8  }
0x106: {  	v18 =	vmax.f32 v12, v9;
	v19 =	vmax.f32 v10, v8  }
0x107: {  	v11 =	vmax.f32 v18, v19  }
0x108: {  	(xrf0) =	vmax.scan.msk.f32 $0xffff, v11;
	_ =	sdelay $0x5  }
0x109: {  	v11, _, _ =	vpop (xrf0)  }
0x10a: {  	v11 =	vbroadcast v11, $0xF;
	_ =	sdelay $0x1  }
0x10b: {  	vm6 =	vge.f32 v8, v11  }
0x10c: {  	vm7 =	vge.f32 v10, v11;
	v20 =	vnsel vm6, $0x80000040, v2  }
0x10d: {  	vm8 =	vge.f32 v9, v11;
	v13 =	vsel vm7, v3, v20  }
0x10e: {  	vm10 =	vge.f32 v12, v11;
	v13 =	vsel vm8, v5, v13  }
0x10f: {  	v11 =	vsel vm10, v28, v13  }
0x110: {  	(xrf0) =	vmin.scan.msk.u32 $0xffff, v11;
	_ =	sdelay $0x5  }
0x111: {  	v11, _, _ =	vpop (xrf0)  }
0x112: {  	(v2sf) =	vpush v11, $0xF;
	_ =	sdelay $0xe  }
0x113: {  	s22 =	spop (v2sf)  }
0x114: {  	s7 =	sxor.u32 $0x80000000, s22  }
0x115: {  	v21 =	vmov s7  }
0x116: {  	vm6 =	veq.s32 v21, v0;
	vm7 =	veq.s32 v21, v32  }
0x117: {  	vm8 =	veq.s32 v21, v4;
	vm10 =	veq.s32 v21, v1;
	v12 =	vsel vm6, $0xFF61B1E6, v12  }
0x118: {  	v9 =	vsel vm7, $0xFF61B1E6, v9;
	v10 =	vsel vm8, $0xFF61B1E6, v10;
	v8 =	vsel vm10, $0xFF61B1E6, v8  }
0x119: {  	v22 =	vmax.f32 v12, v9;
	v23 =	vmax.f32 v10, v8  }
0x11a: {  	v11 =	vmax.f32 v22, v23  }
0x11b: {  	(xrf0) =	vmax.scan.msk.f32 $0xffff, v11;
	_ =	sdelay $0x5  }
0x11c: {  	v11, _, _ =	vpop (xrf0)  }
0x11d: {  	v11 =	vbroadcast v11, $0xF;
	_ =	sdelay $0x1  }
0x11e: {  	vm12 =	vge.f32 v8, v11  }
0x11f: {  	vm4 =	vge.f32 v10, v11;
	v24 =	vnsel vm12, $0x80000040, v2  }
0x120: {  	vm5 =	vge.f32 v9, v11;
	v13 =	vsel vm4, v3, v24  }
0x121: {  	vm12 =	vge.f32 v12, v11;
	v13 =	vsel vm5, v5, v13  }
0x122: {  	v11 =	vsel vm12, v28, v13  }
0x123: {  	(xrf0) =	vmin.scan.msk.u32 $0xffff, v11;
	_ =	sdelay $0x5  }
0x124: {  	v11, _, _ =	vpop (xrf0)  }
0x125: {  	(v2sf) =	vpush v11, $0xF;
	_ =	sdelay $0xe  }
0x126: {  	s23 =	spop (v2sf)  }
0x127: {  	s7 =	sxor.u32 $0x80000000, s23  }
0x128: {  	v25 =	vmov s7  }
0x129: {  	vm2 =	veq.s32 v25, v0;
	vm3 =	veq.s32 v25, v32  }
0x12a: {  	vm4 =	veq.s32 v25, v4;
	vm5 =	veq.s32 v25, v1;
	v12 =	vsel vm2, $0xFF61B1E6, v12  }
0x12b: {  	v9 =	vsel vm3, $0xFF61B1E6, v9;
	v10 =	vsel vm4, $0xFF61B1E6, v10;
	v8 =	vsel vm5, $0xFF61B1E6, v8  }
0x12c: {  	v26 =	vmax.f32 v12, v9;
	v27 =	vmax.f32 v10, v8  }
0x12d: {  	v11 =	vmax.f32 v26, v27  }
0x12e: {  	(xrf0) =	vmax.scan.msk.f32 $0xffff, v11;
	_ =	sdelay $0x5  }
0x12f: {  	v11, _, _ =	vpop (xrf0)  }
0x130: {  	v11 =	vbroadcast v11, $0xF;
	_ =	sdelay $0x1  }
0x131: {  	vm12 =	vge.f32 v8, v11  }
0x132: {  	vm1 =	vge.f32 v10, v11;
	v2 =	vnsel vm12, $0x80000040, v2  }
0x133: {  	vm0 =	vge.f32 v9, v11;
	v2 =	vsel vm1, v3, v2  }
0x134: {  	vm1 =	vge.f32 v12, v11;
	v2 =	vsel vm0, v5, v2  }
0x135: {  	v2 =	vsel vm1, v28, v2  }
0x136: {  	(xrf0) =	vmin.scan.msk.u32 $0xffff, v2;
	_ =	sdelay $0x5  }
0x137: {  	v2, _, _ =	vpop (xrf0)  }
0x138: {  	(v2sf) =	vpush v2, $0xF;
	_ =	sdelay $0xc  }
0x139: {  	v29 =	vld [tilespmem:$0x1FF10]  }
0x13a: {  	v30 =	vld [tilespmem:$0x1FF20]  }
0x13b: {  	s24 =	spop (v2sf)  }
0x13c: {  	s7 =	sxor.u32 $0x80000000, s24  }
0x13d: {  	v33 =	vld [tilespmem:$0x1FF50];
	v28 =	vmov s7  }
0x13e: {  	v31 =	vld [tilespmem:$0x1FF30];
	vm0 =	vnez.u8 v29;
	vm12 =	veq.s32 v28, v0  }
0x13f: {  	v36 =	vld [tilespmem:$0x1FF80];
	vm12 =	vmor vm0, vm12;
	vm0 =	vnez.u8 v30  }
0x140: {  	vm12 =	vmor vm0, vm12;
	vm0 =	veq.s32 v28, v32;
	v32 =	vld [tilespmem:$0x1FF40]  }
0x141: {  	v35 =	vld [tilespmem:$0x1FF70]  }
0x142: {  	v34 =	vld [tilespmem:$0x1FF60]  }
0x143: {  	v38 =	vld [tilespmem:$0x1FFA0];
	vm1 =	vnez.u8 v31  }
0x144: {  	v40 =	vimm.s32 $0x0;
	v37 =	vld [tilespmem:$0x1FF90];
	vm12 =	vmor vm1, vm12  }
0x145: {  	v39 =	vld [tilespmem:$0x1FFB0];
	vm12 =	vmor vm14, vm12;
	vm14 =	vnez.u8 v33;
	vm1 =	vnez.u8 v32  }
0x146: {  	vm9 =	vmor vm9, vm12;
	vm12 =	vnez.u8 v35;
	vm0 =	vmor vm1, vm0  }
0x147: {  	vm1 =	veq.s32 v28, v4;
	vm0 =	vmor vm14, vm0;
	vm14 =	vnez.u8 v34  }
0x148: {  	vm1 =	vmor vm14, vm1;
	vm0 =	vmor vm12, vm0;
	vm12 =	vnez.u8 v36  }
0x149: {  	vm14 =	vnez.u8 v37;
	vm1 =	vmor vm12, vm1;
	vm12 =	vnez.u8 v38  }
0x14a: {  	vm0 =	vmor vm14, vm0;
	vm14 =	vnez.u8 v39;
	vm1 =	vmor vm12, vm1  }
0x14b: {  	vm6 =	vmor vm6, vm9;
	vm0 =	vmor vm11, vm0;
	vm1 =	vmor vm14, vm1  }
0x14c: {  	vm6 =	vmor vm2, vm6;
	vm0 =	vmor vm7, vm0;
	vm1 =	vmor vm13, vm1  }
0x14d: {  	v41 =	vsel vm6, $0x1, v40;
	vm3 =	vmor vm3, vm0;
	vm8 =	vmor vm8, vm1  }
0x14e: {  	(xrf0) =	vadd.scan.msk.s32 $0xffff, v41;
	v42 =	vsel vm3, $0x1, v40;
	vm0 =	vmor vm4, vm8  }
0x14f: {  	(xrf0) =	vadd.scan.msk.s32 $0xffff, v42;
	v43 =	vsel vm0, $0x1, v40  }
0x150: {  	(xrf0) =	vadd.scan.msk.s32 $0xffff, v43;
	_ =	sdelay $0x1  }
0x151: {  	v47 =	vld [tilespmem:$0x1FFC0]  }
0x152: {  	v48 =	vld [tilespmem:$0x1FFD0]  }
0x153: {  	v49 =	vld [tilespmem:$0x1FFE0];
	v44, _, _ =	vpop (xrf0)  }
0x154: {  	v50 =	vld [tilespmem:$0x1FFF0];
	(v2sf) =	vpush v44, $0xF;
	v45, _, _ =	vpop (xrf0)  }
0x155: {  	(v2sf) =	vpush v45, $0xF;
	v46, _, _ =	vpop (xrf0)  }
0x156: {  	vm9 =	veq.s32 v28, v1;
	vm11 =	vnez.u8 v47;
	(v2sf) =	vpush v46, $0xF  }
0x157: {  	vm12 =	vnez.u8 v48;
	vm1 =	vmor vm11, vm9  }
0x158: {  	vm13 =	vnez.u8 v49;
	vm1 =	vmor vm12, vm1  }
0x159: {  	vm14 =	vnez.u8 v50;
	vm1 =	vmor vm13, vm1  }
0x15a: {  	vm1 =	vmor vm14, vm1  }
0x15b: {  	vm1 =	vmor vm15, vm1  }
0x15c: {  	vm1 =	vmor vm10, vm1  }
0x15d: {  	vm1 =	vmor vm5, vm1  }
0x15e: {  	v51 =	vsel vm1, $0x1, v40  }
0x15f: {  	(xrf0) =	vadd.scan.msk.s32 $0xffff, v51;
	_ =	sdelay $0x3  }
0x160: {  	v52 =	vsel vm3, $0xFFFFFFFF, v40;
	v53 =	vbroadcast v44, $0xF;
	s25 =	spop (v2sf)  }
0x161: {  	v4 =	vsub.s32 v44, v41;
	v54 =	vsel vm0, $0xFFFFFFFF, v40;
	v1 =	vadd.s32 v52, v45;
	s26 =	spop (v2sf)  }
0x162: {  	v3 =	vsel vm1, $0xFFFFFFFF, v40;
	v1 =	vadd.s32 v53, v1;
	v55 =	vadd.s32 v54, v46;
	v56, _, _ =	vpop (xrf0);
	s7 =	sadd.s32 s26, s25;
	s28 =	spop (v2sf)  }
0x163: {  	v3 =	vadd.s32 v3, v56;
	v2 =	vadd.s32 s7, v55;
	s7 =	sadd.s32 s28, s7  }
0x164: {  	s29 =	sshll.u32 s1, $0x6;
	v3 =	vadd.s32 s7, v3  }
0x165: {  	s30 =	sor.u32 $0x10, s29;
	s31 =	simm.s32 $0x4000;
	v57 =	vor.u32 s29, v0  }
0x166: {  	s11 =	sor.u32 $0x20, s29;
	v58 =	vor.u32 s30, v0;
	[tilespmem:v4+s31+$0x0] =	vst.idx.msk vm6, v57  }
0x167: {  	s12 =	sor.u32 $0x30, s29;
	v59 =	vor.u32 s11, v0;
	[tilespmem:v1+s31+$0x0] =	vst.idx.msk vm3, v58  }
0x168: {  	v60 =	vor.u32 s12, v0;
	[tilespmem:v2+s31+$0x0] =	vst.idx.msk vm0, v59  }
0x169: {  	[tilespmem:v3+s31+$0x0] =	vst.idx.msk vm1, v60  }
0x16a: {  	v1 =	vld.msk [tilespmem:$0x4000], $0xff;
	_ =	sdelay $0x4  }
0x16b: {  	v61 =	vshll.u32 v1, $0x3  }
0x16c: {  	v1 =	vand.u32 $0x7, v1;
	v2 =	vand.u32 $0xFFFFFFC0, v61  }
0x16d: {  	v62 =	vand.u32 $0x7, v0;
	v0 =	vshrl.u32 v0, $0x3;
	v1 =	vor.u32 v1, v2  }
0x16e: {  	v0 =	vmul.u32 $0x8, v0;
	v1 =	vperm.xlane v1, v62;
	_ =	sdelay $0x1  }
0x16f: {  	v1 =	vadd.s32 v0, v1;
	_ =	sdelay $0x3  }
0x170: {  	s13 =	simm.s32 $0x4080;
	vm15 =	vmmov $0xffff  }
0x171: {  	[tilespmem:s13], [sflag:$0x1] =	stream.indirect_vreg.gather [hbm4b:s6+s2], $0x80, v1, vm15, $0xb8;
	[tilespmem:$0x8080] =	vst v63  }
0x172: {  	s14 =	sadd.s32 $0x100, s6;
	s15 =	simm.s32 $0x4880  }
0x173: {  	[tilespmem:s15], [sflag:$0x1] =	stream.indirect_vreg.gather [hbm4b:s14+s2], $0x80, v1, vm15, $0xb8;
	[tilespmem:$0x8080] =	vst v63  }
0x174: {  	s16 =	sadd.s32 $0x200, s6;
	s17 =	simm.s32 $0x5080  }
0x175: {  	[tilespmem:s17], [sflag:$0x1] =	stream.indirect_vreg.gather [hbm4b:s16+s2], $0x80, v1, vm15, $0xb8;
	[tilespmem:$0x8080] =	vst v63  }
0x176: {  	s18 =	sadd.s32 $0x300, s6;
	s19 =	simm.s32 $0x5880  }
0x177: {  	[tilespmem:s19], [sflag:$0x1] =	stream.indirect_vreg.gather [hbm4b:s18+s2], $0x80, v1, vm15, $0xb8;
	[tilespmem:$0x8080] =	vst v63  }
0x178: {  	v1 =	vld.msk [tilespmem:$0x4000], $0xff;
	_ =	sdelay $0x4  }
0x179: {  	v63 =	vshll.u32 v1, $0x3  }
0x17a: {  	v1 =	vand.u32 $0x7, v1;
	v3 =	vand.u32 $0xFFFFFFC0, v63  }
0x17b: {  	v1 =	vor.u32 v1, v3  }
0x17c: {  	v1 =	vperm.xlane v1, v62;
	_ =	sdelay $0x1  }
0x17d: {  	v0 =	vadd.s32 v0, v1;
	_ =	sdelay $0x3  }
0x17e: {  	s20 =	sadd.s32 $0x2200, s3;
	s21 =	simm.s32 $0x6080  }
0x17f: {  	[tilespmem:s21], [sflag:$0x2] =	stream.indirect_vreg.gather [hbm4b:s20+s2], $0x80, v0, vm15, $0xb8;
	[tilespmem:$0x8080] =	vst v63  }
0x180: {  	s22 =	sadd.s32 $0x100, s20;
	s23 =	simm.s32 $0x6880  }
0x181: {  	[tilespmem:s23], [sflag:$0x2] =	stream.indirect_vreg.gather [hbm4b:s22+s2], $0x80, v0, vm15, $0xb8;
	[tilespmem:$0x8080] =	vst v63  }
0x182: {  	s24 =	sadd.s32 $0x200, s20;
	s25 =	simm.s32 $0x7080  }
0x183: {  	[tilespmem:s25], [sflag:$0x2] =	stream.indirect_vreg.gather [hbm4b:s24+s2], $0x80, v0, vm15, $0xb8;
	[tilespmem:$0x8080] =	vst v63  }
0x184: {  	s26 =	simm.s32 $0x7880;
	s28 =	simm.s32 $0x1;
	s6 =	sadd.s32 $0x300, s20  }
0x185: {  	[tilespmem:s26], [sflag:$0x2] =	stream.indirect_vreg.gather [hbm4b:s6+s2], $0x80, v0, vm15, $0xb8;
	[tilespmem:$0x8080] =	vst v63  }
0x186: {  	_ =	swait.ge [sflag:s28], $0x2000  }
0x187: {  	[sflag:s28] =	ssyncset.done $0x0  }
0x188: {  	s29 =	simm.s32 $0x2;
	[sflag:s28] =	ssyncadd.s32 $0xFFFFE000  }
0x189: {  	_ =	swait.ge [sflag:s29], $0x2000  }
0x18a: {  	s30 =	sadd.s32 $0xC200, s3;
	[sflag:s29] =	ssyncset.done $0x0  }
0x18b: {  	s9 =	sadd.s32 s30, s5;
	[sflag:s29] =	ssyncadd.s32 $0xFFFFE000  }
0x18c: {  	[hbm4b:s9+s2] =	stream.linear.scatter [tilespmem:s13], [sflag:$0x3], $0x2000, $0x38;
	[tilespmem:$0x8080] =	vst v63  }
0x18d: {  	_ =	swait.ge [sflag:s4], $0x2000  }
0x18e: {  	s31 =	sadd.s32 $0xD200, s3;
	[sflag:s4] =	ssyncset.done $0x0  }
0x18f: {  	s3 =	sadd.s32 s31, s5;
	[sflag:s4] =	ssyncadd.s32 $0xFFFFE000  }
0x190: {  	[hbm4b:s3+s2] =	stream.linear.scatter [tilespmem:s21], [sflag:$0x3], $0x2000, $0x38;
	[tilespmem:$0x8080] =	vst v63  }
0x191: {  	_ =	swait.ge [sflag:s4], $0x2000  }
0x192: {  	[sflag:s4] =	ssyncset.done $0x0  }
0x193: {  	[sflag:s4] =	ssyncadd.s32 $0xFFFFE000  }
.LBB2_2:
0x194: {  	_ =	sfence.sel $0x180000  }
0x195: {  	[bflag:$0x0] =	sbarrier.arrive $0xFFFF  }
0x196: {  	p0 =	sne.s32 s1, $0x0;
	_ =	strace $0x90000047  }
0x197: {  	s0 =	sadd.s32 @!p0 $0x100000, s0;
	[bflag:$0x2] =	sbarrier.arrive $0xFFFF  }
0x198: {  	[sflag:s0] =	ssyncadd.tile.s32 @!p0 $0x1;
	_ =	shalt  }
.Lfunc_end2:
_tile_overlayer_lowered:
.L_overlay_start_2:
0x199: {  	(tag) =	ssettag $0x2  }
0x19a: {  	s0 =	rddreg [dreg:$0x0];
	s2 =	stileid.u32  }
0x19b: {  	s1 =	rddreg [dreg:$0x1];
	p0 =	sne.s32 s2, $0x0  }
0x19c: {  	s3 =	rddreg [dreg:$0x2];
	[bflag:$0x3] =	sbarrier.arrive $0xFFFF;
	s2 =	simm.s32 @!p0 $0x1C03  }
0x19d: {  	[timem:s3], [sflag:s2] =	dma.local @!p0 [hbm:s0], s1  }
0x19e: {  	s0 =	simm.s32 @!p0 $0x3  }
0x19f: {  	_ =	swait.ge @!p0 [sflag:s0], s1  }
0x1a0: {  	s1 =	ssub.s32 @!p0 $0x0, s1;
	[sflag:s0] =	ssyncset.done @!p0 $0x0  }
0x1a1: {  	[sflag:s0] =	ssyncadd.s32 @!p0 s1  }
0x1a2: {  	[bflag:$0x3] =	sbarrier.arrive $0xFFFF  }
0x1a3: {  	_ =	shalt  }

</sc_bundles>
